<compile_context>
chip_gen: v7x
topology: tpu7x:2x2x1
jax: 0.10.2.dev20260603
libtpu: 0.0.44.dev20260713+nightly
codegen_flags: <defaults>
</compile_context>

<pallas_src>
import functools

import jax
import jax.numpy as jnp
from jax import lax
from jax.experimental import pallas as pl
from jax.experimental.pallas import tpu as pltpu
from jax.experimental.pallas import tpu_sc as plsc

VOCAB = 100000
VOCAB_PAD = 100352
DIM = 128
EPS = 1e-5



def _sc_hist(x_flat, mask_f, n_rows):
    info = plsc.get_sparse_core_info()
    nc, ns = info.num_cores, info.num_subcores
    nw = nc * ns
    per_w = n_rows // nw

    mesh = plsc.VectorSubcoreMesh(core_axis_name="c", subcore_axis_name="s")

    @functools.partial(
        pl.kernel,
        mesh=mesh,
        compiler_params=pltpu.CompilerParams(needs_layout_passes=False),
        out_type=jax.ShapeDtypeStruct((nw, 1, VOCAB_PAD), jnp.float32),
        scratch_types=[
            pltpu.VMEM((VOCAB_PAD,), jnp.float32),
            pltpu.VMEM((per_w,), jnp.int32),
            pltpu.VMEM((per_w,), jnp.float32),
        ],
    )
    def hist_kernel(x_hbm, m_hbm, out_hbm, counts, xv, mv):
        wid = lax.axis_index("s") * nc + lax.axis_index("c")

        pltpu.sync_copy(x_hbm.at[pl.ds(wid * per_w, per_w)], xv)
        pltpu.sync_copy(m_hbm.at[pl.ds(wid * per_w, per_w)], mv)

        zero = jnp.zeros((16,), jnp.float32)

        def zbody(i, c):
            for u in range(8):
                counts[pl.ds((i * 8 + u) * 16, 16)] = zero
            return c

        lax.fori_loop(0, VOCAB_PAD // (16 * 8), zbody, 0)

        def inner(i, cc):
            for u in range(4):
                off = (i * 4 + u) * 16
                idx = xv[pl.ds(off, 16)]
                val = mv[pl.ds(off, 16)]
                plsc.addupdate_scatter(counts, [idx], val)
            return cc

        lax.fori_loop(0, per_w // (16 * 4), inner, 0)
        pltpu.sync_copy(counts, out_hbm.at[wid, 0])

    return hist_kernel(x_flat, mask_f)



_GSTREAM = 128
_CHUNK = 256
_NSLOT = 3


def _sc_gather(x_flat, table, scale, shift, n_rows):
    info = plsc.get_sparse_core_info()
    nc, ns = info.num_cores, info.num_subcores
    nw = nc * ns
    rows_per_w = n_rows // nw
    chunks_per_w = rows_per_w // _CHUNK

    mesh = plsc.VectorSubcoreMesh(core_axis_name="c", subcore_axis_name="s")

    @functools.partial(
        pl.kernel,
        mesh=mesh,
        compiler_params=pltpu.CompilerParams(needs_layout_passes=False),
        out_type=jax.ShapeDtypeStruct((n_rows, DIM), jnp.float32),
        scratch_types=[
            pltpu.VMEM((rows_per_w,), jnp.int32),
            pltpu.VMEM((DIM,), jnp.float32),
            pltpu.VMEM((DIM,), jnp.float32),
            pltpu.VMEM((_CHUNK, DIM), jnp.float32),
            pltpu.VMEM((_CHUNK, DIM), jnp.float32),
            pltpu.VMEM((_CHUNK, DIM), jnp.float32),
            pltpu.SemaphoreType.DMA,
            pltpu.SemaphoreType.DMA,
            pltpu.SemaphoreType.DMA,
            pltpu.SemaphoreType.DMA,
            pltpu.SemaphoreType.DMA,
            pltpu.SemaphoreType.DMA,
        ],
    )
    def gather_kernel(x_hbm, table_hbm, scale_hbm, shift_hbm, out_hbm, idx_v,
                      scale_v, shift_v,
                      b0, b1, b2, sg0, sg1, sg2, ss0, ss1, ss2):
        wid = lax.axis_index("s") * nc + lax.axis_index("c")
        base_out_row = wid * rows_per_w
        pltpu.sync_copy(x_hbm.at[pl.ds(wid * rows_per_w, rows_per_w)], idx_v)
        pltpu.sync_copy(scale_hbm.at[0], scale_v)
        pltpu.sync_copy(shift_hbm.at[0], shift_v)

        svecs = [scale_v[pl.ds(g * 16, 16)] for g in range(DIM // 16)]
        bvecs = [shift_v[pl.ds(g * 16, 16)] for g in range(DIM // 16)]

        bufs = (b0, b1, b2)
        sgs = (sg0, sg1, sg2)
        sss = (ss0, ss1, ss2)

        def start_gathers(j, buf, sem):
            pltpu.async_copy(
                table_hbm.at[idx_v.at[pl.ds(j * _CHUNK, _GSTREAM)]],
                buf.at[pl.ds(0, _GSTREAM)], sem)
            pltpu.async_copy(
                table_hbm.at[idx_v.at[pl.ds(j * _CHUNK + _GSTREAM, _GSTREAM)]],
                buf.at[pl.ds(_GSTREAM, _GSTREAM)], sem)

        def wait_gathers(j, buf, sem):
            for h in range(2):
                pltpu.make_async_copy(
                    table_hbm.at[idx_v.at[pl.ds(j * _CHUNK + h * _GSTREAM,
                                                _GSTREAM)]],
                    buf.at[pl.ds(h * _GSTREAM, _GSTREAM)], sem).wait()

        def affine(buf):
            def rbody(r, cc):
                for g in range(DIM // 16):
                    v = buf[r, pl.ds(g * 16, 16)]
                    buf[r, pl.ds(g * 16, 16)] = v * svecs[g] + bvecs[g]
                return cc

            lax.fori_loop(0, _CHUNK, rbody, 0)

        for k in range(_NSLOT - 1):
            start_gathers(k, bufs[k], sgs[k])

        def body(j, carry):
            for k in range(_NSLOT):

                @pl.when(j % _NSLOT == k)
                def _():
                    m = (k + _NSLOT - 1) % _NSLOT
                    wait_gathers(j, bufs[k], sgs[k])
                    @pl.when(jnp.logical_and(j >= 1, j + 2 < chunks_per_w))
                    def _():
                        pltpu.make_async_copy(
                            bufs[m],
                            out_hbm.at[pl.ds(base_out_row, _CHUNK)],
                            sss[m],
                        ).wait()

                    @pl.when(j + 2 < chunks_per_w)
                    def _():
                        start_gathers(j + 2, bufs[m], sgs[m])

                    affine(bufs[k])
                    pltpu.async_copy(
                        bufs[k],
                        out_hbm.at[pl.ds(base_out_row + j * _CHUNK, _CHUNK)],
                        sss[k],
                    )

            return carry

        lax.fori_loop(0, chunks_per_w, body, 0)

        for k in range(_NSLOT):
            pltpu.make_async_copy(
                bufs[k], out_hbm.at[pl.ds(base_out_row, _CHUNK)], sss[k]
            ).wait()

    return gather_kernel(x_flat, table, scale, shift)



_VBLK = 14336
_NSTEPS = VOCAB_PAD // _VBLK


def _stats_body(h_ref, tbl_ref, tail_ref, gamma_ref, beta_ref,
                scale_ref, shift_ref, acc_ref):
    i = pl.program_id(0)

    @pl.when(i == 0)
    def _():
        acc_ref[...] = jnp.zeros_like(acc_ref)

    cblk = jnp.sum(h_ref[:, 0, :], axis=0, keepdims=True)

    def accum(tblk):
        s = lax.dot_general(cblk, tblk, (((1,), (0,)), ((), ())),
                            preferred_element_type=jnp.float32)
        sq = lax.dot_general(cblk, tblk * tblk, (((1,), (0,)), ((), ())),
                             preferred_element_type=jnp.float32)
        acc_ref[0:1, :] += s
        acc_ref[1:2, :] += sq
        acc_ref[2:3, :] += jnp.full((1, DIM), jnp.sum(cblk), jnp.float32)

    @pl.when(i < _NSTEPS - 1)
    def _():
        accum(tbl_ref[...])

    @pl.when(i == _NSTEPS - 1)
    def _():
        accum(tail_ref[...])

        cnt = jnp.maximum(acc_ref[2:3, :], 1.0)
        mean = acc_ref[0:1, :] / cnt
        var = jnp.maximum(acc_ref[1:2, :] / cnt - mean * mean, 0.0)
        scale = gamma_ref[...] / jnp.sqrt(var + EPS)
        scale_ref[...] = scale
        shift_ref[...] = beta_ref[...] - mean * scale


def _tc_stats(hists, table, gamma, beta):
    tail = jnp.concatenate(
        [table[(_NSTEPS - 1) * _VBLK:],
         jnp.zeros((VOCAB_PAD - VOCAB, DIM), jnp.float32)], axis=0)
    return pl.pallas_call(
        _stats_body,
        grid=(_NSTEPS,),
        in_specs=[
            pl.BlockSpec((32, 1, _VBLK), lambda i: (0, 0, i)),
            pl.BlockSpec((_VBLK, DIM),
                         lambda i: (jnp.minimum(i, _NSTEPS - 2), 0)),
            pl.BlockSpec((_VBLK, DIM), lambda i: (0, 0)),
            pl.BlockSpec((1, DIM), lambda i: (0, 0)),
            pl.BlockSpec((1, DIM), lambda i: (0, 0)),
        ],
        out_specs=[
            pl.BlockSpec((1, DIM), lambda i: (0, 0)),
            pl.BlockSpec((1, DIM), lambda i: (0, 0)),
        ],
        out_shape=[
            jax.ShapeDtypeStruct((1, DIM), jnp.float32),
            jax.ShapeDtypeStruct((1, DIM), jnp.float32),
        ],
        scratch_shapes=[pltpu.VMEM((3, DIM), jnp.float32)],
    )(hists, table, tail, gamma.reshape(1, DIM), beta.reshape(1, DIM))




def kernel(x, mask, table, gamma, beta):
    b, l = x.shape
    n_rows = b * l
    x_flat = x.reshape(n_rows).astype(jnp.int32)
    mask_f = mask.reshape(n_rows).astype(jnp.float32)
    hists = _sc_hist(x_flat, mask_f, n_rows)
    scale, shift = _tc_stats(hists, table, gamma, beta)
    out = _sc_gather(x_flat, table, scale, shift, n_rows)
    return out.reshape(b, l, DIM)

# --- scband reference (transcript-rebuilt; emitter-appended) ---
"""Pipeline reference for scband-attribute-embedding-2482491097351 (READ-ONLY COPY).

The authoritative reference and input builder live on the scoring server;
editing this copy changes nothing except your own understanding.
"""

import jax, jax.numpy as jnp
import numpy as np

VOCAB = 100000
DIM = 128
B = 1024
L = 200
EPS = 1e-5

def setup_inputs(seed: int = 0) -> dict:
    key = jax.random.key(seed)
    k1, k2, k3 = jax.random.split(key, 3)
    x = jax.random.randint(k1, (B, L), 0, VOCAB)
    mask = jax.random.randint(k2, (B, L), 0, 2).astype(jnp.bool_)
    table = jax.random.normal(k3, (VOCAB, DIM), dtype=jnp.float32) * 0.02
    gamma = jnp.ones((DIM,), dtype=jnp.float32)
    beta = jnp.zeros((DIM,), dtype=jnp.float32)
    return {"x": x, "mask": mask, "table": table, "gamma": gamma, "beta": beta}

def reference(x, mask, table, gamma, beta):
    # embedding lookup
    emb = jnp.take(table, x, axis=0)  # [B, L, D]
    # masked batch normalization: stats computed only over unmasked positions,
    # per feature channel (embedding_dim)
    m = mask[..., None].astype(emb.dtype)  # [B, L, 1]
    count = jnp.maximum(jnp.sum(m, axis=(0, 1)), 1.0)  # [1] broadcastable
    mean = jnp.sum(emb * m, axis=(0, 1)) / count  # [D]
    var = jnp.sum(((emb - mean) ** 2) * m, axis=(0, 1)) / count  # [D]
    out = (emb - mean) / jnp.sqrt(var + EPS) * gamma + beta
    # dropout=None -> Identity (eval mode)
    return out

if __name__ == "__main__":
    import jax
    _d = setup_inputs()
    print(jax.jit(kernel)(*tuple(_d.values())))

</pallas_src>

<mosaic_0001>
#map = affine_map<(d0, d1) -> (0)>
#map1 = affine_map<(d0, d1) -> (0, 0)>
module attributes {stable_mosaic.version = 14 : i64} {
  func.func @gather_kernel(%arg0: i32, %arg1: i32, %arg2: memref<204800xi32, #tpu.memory_space<hbm>>, %arg3: memref<100000x128xf32, #tpu.memory_space<hbm>>, %arg4: memref<1x128xf32, #tpu.memory_space<hbm>>, %arg5: memref<1x128xf32, #tpu.memory_space<hbm>>, %arg6: memref<204800x128xf32, #tpu.memory_space<hbm>>, %arg7: memref<6400xi32, #tpu.memory_space<vmem>>, %arg8: memref<128xf32, #tpu.memory_space<vmem>>, %arg9: memref<128xf32, #tpu.memory_space<vmem>>, %arg10: memref<256x128xf32, #tpu.memory_space<vmem>>, %arg11: memref<256x128xf32, #tpu.memory_space<vmem>>, %arg12: memref<256x128xf32, #tpu.memory_space<vmem>>, %arg13: memref<!tpu.dma_semaphore, #tpu.memory_space<semaphore_mem>>, %arg14: memref<!tpu.dma_semaphore, #tpu.memory_space<semaphore_mem>>, %arg15: memref<!tpu.dma_semaphore, #tpu.memory_space<semaphore_mem>>, %arg16: memref<!tpu.dma_semaphore, #tpu.memory_space<semaphore_mem>>, %arg17: memref<!tpu.dma_semaphore, #tpu.memory_space<semaphore_mem>>, %arg18: memref<!tpu.dma_semaphore, #tpu.memory_space<semaphore_mem>>) attributes {dimension_semantics = [#tpu.dimension_semantics<core_parallel>, #tpu.dimension_semantics<subcore_parallel>], iteration_bounds = array<i64: 2, 16>, scalar_prefetch = 0 : i64, scratch_operands = 12 : i64, tpu.core_type = #tpu.core_type<sc_vector_subcore>, window_params = [{transform_indices = #map}, {transform_indices = #map1}, {transform_indices = #map1}, {transform_indices = #map1}, {transform_indices = #map1}]} {
    %mul3A = arith.constant 2 : i32
    %mul3A_0 = arith.muli %arg1, %mul3A : i32
    %add3A = arith.addi %mul3A_0, %arg0 : i32
    %mul3A_1 = arith.constant 6400 : i32
    %mul3A_2 = arith.muli %add3A, %mul3A_1 : i32
    %mul3A_3 = arith.constant 6400 : i32
    %mul3A_4 = arith.muli %add3A, %mul3A_3 : i32
    "tpu.region"() ({
      %run_scoped3A_84 = tpu.sem_alloc : memref<!tpu.dma_semaphore, #tpu.memory_space<semaphore_mem>>
      %dma_start3A_85 = tpu.memref_slice %arg2[%mul3A_4] : memref<204800xi32, #tpu.memory_space<hbm>> -> memref<6400xi32, #tpu.memory_space<hbm>>
      %dma_start3A_86 = tpu.memref_slice %arg2[%mul3A_4] : memref<204800xi32, #tpu.memory_space<hbm>> -> memref<6400xi32, #tpu.memory_space<hbm>>
      tpu.enqueue_dma source(%dma_start3A_86 : memref<6400xi32, #tpu.memory_space<hbm>>) target(%arg7 : memref<6400xi32, #tpu.memory_space<vmem>>) target_semaphore(%run_scoped3A_84 : memref<!tpu.dma_semaphore, #tpu.memory_space<semaphore_mem>>)
      %dma_wait3A_87 = tpu.memref_slice %arg2[%mul3A_4] : memref<204800xi32, #tpu.memory_space<hbm>> -> memref<6400xi32, #tpu.memory_space<hbm>>
      %dma_wait3A_88 = tpu.memref_slice %arg2[%mul3A_4] : memref<204800xi32, #tpu.memory_space<hbm>> -> memref<6400xi32, #tpu.memory_space<hbm>>
      tpu.wait_dma2 semaphore(%run_scoped3A_84 : memref<!tpu.dma_semaphore, #tpu.memory_space<semaphore_mem>>) src(%dma_wait3A_88 : memref<6400xi32, #tpu.memory_space<hbm>>) dst(%arg7 : memref<6400xi32, #tpu.memory_space<vmem>>)
      tpu.yield
    }) : () -> ()
    %run_scoped3A = arith.constant 0 : i32
    "tpu.region"() ({
      %run_scoped3A_84 = tpu.sem_alloc : memref<!tpu.dma_semaphore, #tpu.memory_space<semaphore_mem>>
      %dma_start3A_85 = arith.constant 0 : i32
      %dma_start3A_86 = tpu.memref_slice %arg4[%run_scoped3A, %dma_start3A_85] : memref<1x128xf32, #tpu.memory_space<hbm>> -> memref<1x128xf32, #tpu.memory_space<hbm>>
      %dma_start3A_87 = tpu.memref_squeeze %dma_start3A_86 : memref<1x128xf32, #tpu.memory_space<hbm>> -> memref<128xf32, #tpu.memory_space<hbm>>
      %dma_start3A_88 = arith.constant 0 : i32
      %dma_start3A_89 = tpu.memref_slice %arg4[%run_scoped3A, %dma_start3A_88] : memref<1x128xf32, #tpu.memory_space<hbm>> -> memref<1x128xf32, #tpu.memory_space<hbm>>
      %dma_start3A_90 = tpu.memref_squeeze %dma_start3A_89 : memref<1x128xf32, #tpu.memory_space<hbm>> -> memref<128xf32, #tpu.memory_space<hbm>>
      tpu.enqueue_dma source(%dma_start3A_90 : memref<128xf32, #tpu.memory_space<hbm>>) target(%arg8 : memref<128xf32, #tpu.memory_space<vmem>>) target_semaphore(%run_scoped3A_84 : memref<!tpu.dma_semaphore, #tpu.memory_space<semaphore_mem>>)
      %dma_wait3A_91 = arith.constant 0 : i32
      %dma_wait3A_92 = tpu.memref_slice %arg4[%run_scoped3A, %dma_wait3A_91] : memref<1x128xf32, #tpu.memory_space<hbm>> -> memref<1x128xf32, #tpu.memory_space<hbm>>
      %dma_wait3A_93 = tpu.memref_squeeze %dma_wait3A_92 : memref<1x128xf32, #tpu.memory_space<hbm>> -> memref<128xf32, #tpu.memory_space<hbm>>
      %dma_wait3A_94 = arith.constant 0 : i32
      %dma_wait3A_95 = tpu.memref_slice %arg4[%run_scoped3A, %dma_wait3A_94] : memref<1x128xf32, #tpu.memory_space<hbm>> -> memref<1x128xf32, #tpu.memory_space<hbm>>
      %dma_wait3A_96 = tpu.memref_squeeze %dma_wait3A_95 : memref<1x128xf32, #tpu.memory_space<hbm>> -> memref<128xf32, #tpu.memory_space<hbm>>
      tpu.wait_dma2 semaphore(%run_scoped3A_84 : memref<!tpu.dma_semaphore, #tpu.memory_space<semaphore_mem>>) src(%dma_wait3A_96 : memref<128xf32, #tpu.memory_space<hbm>>) dst(%arg8 : memref<128xf32, #tpu.memory_space<vmem>>)
      tpu.yield
    }) : () -> ()
    %run_scoped3A_5 = arith.constant 0 : i32
    "tpu.region"() ({
      %run_scoped3A_84 = tpu.sem_alloc : memref<!tpu.dma_semaphore, #tpu.memory_space<semaphore_mem>>
      %dma_start3A_85 = arith.constant 0 : i32
      %dma_start3A_86 = tpu.memref_slice %arg5[%run_scoped3A_5, %dma_start3A_85] : memref<1x128xf32, #tpu.memory_space<hbm>> -> memref<1x128xf32, #tpu.memory_space<hbm>>
      %dma_start3A_87 = tpu.memref_squeeze %dma_start3A_86 : memref<1x128xf32, #tpu.memory_space<hbm>> -> memref<128xf32, #tpu.memory_space<hbm>>
      %dma_start3A_88 = arith.constant 0 : i32
      %dma_start3A_89 = tpu.memref_slice %arg5[%run_scoped3A_5, %dma_start3A_88] : memref<1x128xf32, #tpu.memory_space<hbm>> -> memref<1x128xf32, #tpu.memory_space<hbm>>
      %dma_start3A_90 = tpu.memref_squeeze %dma_start3A_89 : memref<1x128xf32, #tpu.memory_space<hbm>> -> memref<128xf32, #tpu.memory_space<hbm>>
      tpu.enqueue_dma source(%dma_start3A_90 : memref<128xf32, #tpu.memory_space<hbm>>) target(%arg9 : memref<128xf32, #tpu.memory_space<vmem>>) target_semaphore(%run_scoped3A_84 : memref<!tpu.dma_semaphore, #tpu.memory_space<semaphore_mem>>)
      %dma_wait3A_91 = arith.constant 0 : i32
      %dma_wait3A_92 = tpu.memref_slice %arg5[%run_scoped3A_5, %dma_wait3A_91] : memref<1x128xf32, #tpu.memory_space<hbm>> -> memref<1x128xf32, #tpu.memory_space<hbm>>
      %dma_wait3A_93 = tpu.memref_squeeze %dma_wait3A_92 : memref<1x128xf32, #tpu.memory_space<hbm>> -> memref<128xf32, #tpu.memory_space<hbm>>
      %dma_wait3A_94 = arith.constant 0 : i32
      %dma_wait3A_95 = tpu.memref_slice %arg5[%run_scoped3A_5, %dma_wait3A_94] : memref<1x128xf32, #tpu.memory_space<hbm>> -> memref<1x128xf32, #tpu.memory_space<hbm>>
      %dma_wait3A_96 = tpu.memref_squeeze %dma_wait3A_95 : memref<1x128xf32, #tpu.memory_space<hbm>> -> memref<128xf32, #tpu.memory_space<hbm>>
      tpu.wait_dma2 semaphore(%run_scoped3A_84 : memref<!tpu.dma_semaphore, #tpu.memory_space<semaphore_mem>>) src(%dma_wait3A_96 : memref<128xf32, #tpu.memory_space<hbm>>) dst(%arg9 : memref<128xf32, #tpu.memory_space<vmem>>)
      tpu.yield
    }) : () -> ()
    %get3A = arith.constant 0 : index
    %get3A_6 = tpu.vector_load %arg8[%get3A] {strides = array<i32>} : memref<128xf32, #tpu.memory_space<vmem>>, vector<16xf32>,
    %get3A_7 = arith.constant 16 : index
    %get3A_8 = tpu.vector_load %arg8[%get3A_7] {strides = array<i32>} : memref<128xf32, #tpu.memory_space<vmem>>, vector<16xf32>,
    %get3A_9 = arith.constant 32 : index
    %get3A_10 = tpu.vector_load %arg8[%get3A_9] {strides = array<i32>} : memref<128xf32, #tpu.memory_space<vmem>>, vector<16xf32>,
    %get3A_11 = arith.constant 48 : index
    %get3A_12 = tpu.vector_load %arg8[%get3A_11] {strides = array<i32>} : memref<128xf32, #tpu.memory_space<vmem>>, vector<16xf32>,
    %get3A_13 = arith.constant 64 : index
    %get3A_14 = tpu.vector_load %arg8[%get3A_13] {strides = array<i32>} : memref<128xf32, #tpu.memory_space<vmem>>, vector<16xf32>,
    %get3A_15 = arith.constant 80 : index
    %get3A_16 = tpu.vector_load %arg8[%get3A_15] {strides = array<i32>} : memref<128xf32, #tpu.memory_space<vmem>>, vector<16xf32>,
    %get3A_17 = arith.constant 96 : index
    %get3A_18 = tpu.vector_load %arg8[%get3A_17] {strides = array<i32>} : memref<128xf32, #tpu.memory_space<vmem>>, vector<16xf32>,
    %get3A_19 = arith.constant 112 : index
    %get3A_20 = tpu.vector_load %arg8[%get3A_19] {strides = array<i32>} : memref<128xf32, #tpu.memory_space<vmem>>, vector<16xf32>,
    %get3A_21 = arith.constant 0 : index
    %get3A_22 = tpu.vector_load %arg9[%get3A_21] {strides = array<i32>} : memref<128xf32, #tpu.memory_space<vmem>>, vector<16xf32>,
    %get3A_23 = arith.constant 16 : index
    %get3A_24 = tpu.vector_load %arg9[%get3A_23] {strides = array<i32>} : memref<128xf32, #tpu.memory_space<vmem>>, vector<16xf32>,
    %get3A_25 = arith.constant 32 : index
    %get3A_26 = tpu.vector_load %arg9[%get3A_25] {strides = array<i32>} : memref<128xf32, #tpu.memory_space<vmem>>, vector<16xf32>,
    %get3A_27 = arith.constant 48 : index
    %get3A_28 = tpu.vector_load %arg9[%get3A_27] {strides = array<i32>} : memref<128xf32, #tpu.memory_space<vmem>>, vector<16xf32>,
    %get3A_29 = arith.constant 64 : index
    %get3A_30 = tpu.vector_load %arg9[%get3A_29] {strides = array<i32>} : memref<128xf32, #tpu.memory_space<vmem>>, vector<16xf32>,
    %get3A_31 = arith.constant 80 : index
    %get3A_32 = tpu.vector_load %arg9[%get3A_31] {strides = array<i32>} : memref<128xf32, #tpu.memory_space<vmem>>, vector<16xf32>,
    %get3A_33 = arith.constant 96 : index
    %get3A_34 = tpu.vector_load %arg9[%get3A_33] {strides = array<i32>} : memref<128xf32, #tpu.memory_space<vmem>>, vector<16xf32>,
    %get3A_35 = arith.constant 112 : index
    %get3A_36 = tpu.vector_load %arg9[%get3A_35] {strides = array<i32>} : memref<128xf32, #tpu.memory_space<vmem>>, vector<16xf32>,
    %dma_start3A = arith.constant 0 : i32
    %dma_start3A_37 = arith.constant 0 : i32
    %dma_start3A_38 = tpu.memref_slice %arg10[%dma_start3A, %dma_start3A_37] : memref<256x128xf32, #tpu.memory_space<vmem>> -> memref<128x128xf32, #tpu.memory_space<vmem>>
    %dma_start3A_39 = arith.constant 0 : i32
    %dma_start3A_40 = tpu.memref_slice %arg7[%dma_start3A_39] : memref<6400xi32, #tpu.memory_space<vmem>> -> memref<128xi32, #tpu.memory_space<vmem>>
    %dma_start3A_41 = arith.constant 0 : i32
    %dma_start3A_42 = arith.constant 0 : i32
    %dma_start3A_43 = tpu.memref_slice %arg3[%dma_start3A_41, %dma_start3A_42] : memref<100000x128xf32, #tpu.memory_space<hbm>> -> memref<100000x128xf32, #tpu.memory_space<hbm>>
    tpu.enqueue_indirect_dma source(%dma_start3A_43 : memref<100000x128xf32, #tpu.memory_space<hbm>>) target(%dma_start3A_38 : memref<128x128xf32, #tpu.memory_space<vmem>>) offsets(%dma_start3A_40 : memref<128xi32, #tpu.memory_space<vmem>>) semaphore(%arg13 : memref<!tpu.dma_semaphore, #tpu.memory_space<semaphore_mem>>)
    %dma_start3A_44 = arith.constant 128 : i32
    %dma_start3A_45 = arith.constant 0 : i32
    %dma_start3A_46 = tpu.memref_slice %arg10[%dma_start3A_44, %dma_start3A_45] : memref<256x128xf32, #tpu.memory_space<vmem>> -> memref<128x128xf32, #tpu.memory_space<vmem>>
    %dma_start3A_47 = arith.constant 128 : i32
    %dma_start3A_48 = tpu.memref_slice %arg7[%dma_start3A_47] : memref<6400xi32, #tpu.memory_space<vmem>> -> memref<128xi32, #tpu.memory_space<vmem>>
    %dma_start3A_49 = arith.constant 0 : i32
    %dma_start3A_50 = arith.constant 0 : i32
    %dma_start3A_51 = tpu.memref_slice %arg3[%dma_start3A_49, %dma_start3A_50] : memref<100000x128xf32, #tpu.memory_space<hbm>> -> memref<100000x128xf32, #tpu.memory_space<hbm>>
    tpu.enqueue_indirect_dma source(%dma_start3A_51 : memref<100000x128xf32, #tpu.memory_space<hbm>>) target(%dma_start3A_46 : memref<128x128xf32, #tpu.memory_space<vmem>>) offsets(%dma_start3A_48 : memref<128xi32, #tpu.memory_space<vmem>>) semaphore(%arg13 : memref<!tpu.dma_semaphore, #tpu.memory_space<semaphore_mem>>)
    %dma_start3A_52 = arith.constant 0 : i32
    %dma_start3A_53 = arith.constant 0 : i32
    %dma_start3A_54 = tpu.memref_slice %arg11[%dma_start3A_52, %dma_start3A_53] : memref<256x128xf32, #tpu.memory_space<vmem>> -> memref<128x128xf32, #tpu.memory_space<vmem>>
    %dma_start3A_55 = arith.constant 256 : i32
    %dma_start3A_56 = tpu.memref_slice %arg7[%dma_start3A_55] : memref<6400xi32, #tpu.memory_space<vmem>> -> memref<128xi32, #tpu.memory_space<vmem>>
    %dma_start3A_57 = arith.constant 0 : i32
    %dma_start3A_58 = arith.constant 0 : i32
    %dma_start3A_59 = tpu.memref_slice %arg3[%dma_start3A_57, %dma_start3A_58] : memref<100000x128xf32, #tpu.memory_space<hbm>> -> memref<100000x128xf32, #tpu.memory_space<hbm>>
    tpu.enqueue_indirect_dma source(%dma_start3A_59 : memref<100000x128xf32, #tpu.memory_space<hbm>>) target(%dma_start3A_54 : memref<128x128xf32, #tpu.memory_space<vmem>>) offsets(%dma_start3A_56 : memref<128xi32, #tpu.memory_space<vmem>>) semaphore(%arg14 : memref<!tpu.dma_semaphore, #tpu.memory_space<semaphore_mem>>)
    %dma_start3A_60 = arith.constant 128 : i32
    %dma_start3A_61 = arith.constant 0 : i32
    %dma_start3A_62 = tpu.memref_slice %arg11[%dma_start3A_60, %dma_start3A_61] : memref<256x128xf32, #tpu.memory_space<vmem>> -> memref<128x128xf32, #tpu.memory_space<vmem>>
    %dma_start3A_63 = arith.constant 384 : i32
    %dma_start3A_64 = tpu.memref_slice %arg7[%dma_start3A_63] : memref<6400xi32, #tpu.memory_space<vmem>> -> memref<128xi32, #tpu.memory_space<vmem>>
    %dma_start3A_65 = arith.constant 0 : i32
    %dma_start3A_66 = arith.constant 0 : i32
    %dma_start3A_67 = tpu.memref_slice %arg3[%dma_start3A_65, %dma_start3A_66] : memref<100000x128xf32, #tpu.memory_space<hbm>> -> memref<100000x128xf32, #tpu.memory_space<hbm>>
    tpu.enqueue_indirect_dma source(%dma_start3A_67 : memref<100000x128xf32, #tpu.memory_space<hbm>>) target(%dma_start3A_62 : memref<128x128xf32, #tpu.memory_space<vmem>>) offsets(%dma_start3A_64 : memref<128xi32, #tpu.memory_space<vmem>>) semaphore(%arg14 : memref<!tpu.dma_semaphore, #tpu.memory_space<semaphore_mem>>)
    %scan3A = arith.constant 0 : i32
    %scan3A_68 = arith.constant 0 : i32
    %scan3A_69 = arith.constant 25 : i32
    %scan3A_70 = arith.addi %scan3A_68, %scan3A_69 : i32
    %scan3A_71 = arith.constant 1 : i32
    scf.for %scan3A_84 = %scan3A_68 to %scan3A_70 step %scan3A_71  : i32 {
      %jit3A = arith.constant 3 : i32
      %eq3A = arith.constant 0 : i32
      %eq3A_85 = arith.cmpi eq, %jit3A, %eq3A : i32
      %jit3A_86 = arith.constant 1 : i32
      %select_n3A = arith.select %eq3A_85, %jit3A_86, %jit3A : i32
      %rem3A = arith.remsi %scan3A_84, %select_n3A : i32
      %ne3A = arith.constant 0 : i32
      %ne3A_87 = arith.cmpi ne, %rem3A, %ne3A : i32
      %lt3A = arith.constant 0 : i32
      %lt3A_88 = arith.cmpi slt, %rem3A, %lt3A : i32
      %lt3A_89 = arith.constant 0 : i32
      %lt3A_90 = arith.cmpi slt, %select_n3A, %lt3A_89 : i32
      %ne3A_91 = arith.xori %lt3A_88, %lt3A_90 : i1
      %and3A = arith.andi %ne3A_91, %ne3A_87 : i1
      %add3A_92 = arith.addi %rem3A, %select_n3A : i32
      %select_n3A_93 = arith.select %and3A, %add3A_92, %rem3A : i32
      %eq3A_94 = arith.constant 0 : i32
      %eq3A_95 = arith.cmpi eq, %select_n3A_93, %eq3A_94 : i32
      %convert_element_type3A = arith.extui %eq3A_95 : i1 to i32
      %cond3A = arith.constant 0 : i32
      %cond3A_96 = arith.cmpi ne, %convert_element_type3A, %cond3A : i32
      scf.if %cond3A_96 {
        %mul3A_139 = arith.constant 256 : i32
        %mul3A_140 = arith.muli %scan3A_84, %mul3A_139 : i32
        %add3A_141 = arith.constant 0 : i32
        %add3A_142 = arith.addi %mul3A_140, %add3A_141 : i32
        %dma_wait3A_143 = arith.constant 0 : i32
        %dma_wait3A_144 = arith.constant 0 : i32
        %dma_wait3A_145 = tpu.memref_slice %arg10[%dma_wait3A_143, %dma_wait3A_144] : memref<256x128xf32, #tpu.memory_space<vmem>> -> memref<128x128xf32, #tpu.memory_space<vmem>>
        %dma_wait3A_146 = tpu.memref_slice %arg7[%add3A_142] : memref<6400xi32, #tpu.memory_space<vmem>> -> memref<128xi32, #tpu.memory_space<vmem>>
        %dma_wait3A_147 = arith.constant 0 : i32
        %dma_wait3A_148 = arith.constant 0 : i32
        %dma_wait3A_149 = tpu.memref_slice %arg3[%dma_wait3A_147, %dma_wait3A_148] : memref<100000x128xf32, #tpu.memory_space<hbm>> -> memref<100000x128xf32, #tpu.memory_space<hbm>>
        tpu.wait_indirect_dma semaphore(%arg13 : memref<!tpu.dma_semaphore, #tpu.memory_space<semaphore_mem>>) src(%dma_wait3A_149 : memref<100000x128xf32, #tpu.memory_space<hbm>>) dst(%dma_wait3A_145 : memref<128x128xf32, #tpu.memory_space<vmem>>)
        %mul3A_150 = arith.constant 256 : i32
        %mul3A_151 = arith.muli %scan3A_84, %mul3A_150 : i32
        %add3A_152 = arith.constant 128 : i32
        %add3A_153 = arith.addi %mul3A_151, %add3A_152 : i32
        %dma_wait3A_154 = arith.constant 128 : i32
        %dma_wait3A_155 = arith.constant 0 : i32
        %dma_wait3A_156 = tpu.memref_slice %arg10[%dma_wait3A_154, %dma_wait3A_155] : memref<256x128xf32, #tpu.memory_space<vmem>> -> memref<128x128xf32, #tpu.memory_space<vmem>>
        %dma_wait3A_157 = tpu.memref_slice %arg7[%add3A_153] : memref<6400xi32, #tpu.memory_space<vmem>> -> memref<128xi32, #tpu.memory_space<vmem>>
        %dma_wait3A_158 = arith.constant 0 : i32
        %dma_wait3A_159 = arith.constant 0 : i32
        %dma_wait3A_160 = tpu.memref_slice %arg3[%dma_wait3A_158, %dma_wait3A_159] : memref<100000x128xf32, #tpu.memory_space<hbm>> -> memref<100000x128xf32, #tpu.memory_space<hbm>>
        tpu.wait_indirect_dma semaphore(%arg13 : memref<!tpu.dma_semaphore, #tpu.memory_space<semaphore_mem>>) src(%dma_wait3A_160 : memref<100000x128xf32, #tpu.memory_space<hbm>>) dst(%dma_wait3A_156 : memref<128x128xf32, #tpu.memory_space<vmem>>)
        %ge3A = arith.constant 1 : i32
        %ge3A_161 = arith.cmpi sge, %scan3A_84, %ge3A : i32
        %add3A_162 = arith.constant 2 : i32
        %add3A_163 = arith.addi %scan3A_84, %add3A_162 : i32
        %lt3A_164 = arith.constant 25 : i32
        %lt3A_165 = arith.cmpi slt, %add3A_163, %lt3A_164 : i32
        %and3A_166 = arith.andi %ge3A_161, %lt3A_165 : i1
        %convert_element_type3A_167 = arith.extui %and3A_166 : i1 to i32
        %cond3A_168 = arith.constant 0 : i32
        %cond3A_169 = arith.cmpi ne, %convert_element_type3A_167, %cond3A_168 : i32
        scf.if %cond3A_169 {
          %dma_wait3A_190 = arith.constant 0 : i32
          %dma_wait3A_191 = tpu.memref_slice %arg6[%mul3A_2, %dma_wait3A_190] : memref<204800x128xf32, #tpu.memory_space<hbm>> -> memref<256x128xf32, #tpu.memory_space<hbm>>
          %dma_wait3A_192 = arith.constant 0 : i32
          %dma_wait3A_193 = tpu.memref_slice %arg6[%mul3A_2, %dma_wait3A_192] : memref<204800x128xf32, #tpu.memory_space<hbm>> -> memref<256x128xf32, #tpu.memory_space<hbm>>
          tpu.wait_dma2 semaphore(%arg18 : memref<!tpu.dma_semaphore, #tpu.memory_space<semaphore_mem>>) src(%arg12 : memref<256x128xf32, #tpu.memory_space<vmem>>) dst(%dma_wait3A_193 : memref<256x128xf32, #tpu.memory_space<hbm>>)
        } else {
        }
        %add3A_170 = arith.constant 2 : i32
        %add3A_171 = arith.addi %scan3A_84, %add3A_170 : i32
        %lt3A_172 = arith.constant 25 : i32
        %lt3A_173 = arith.cmpi slt, %add3A_171, %lt3A_172 : i32
        %convert_element_type3A_174 = arith.extui %lt3A_173 : i1 to i32
        %cond3A_175 = arith.constant 0 : i32
        %cond3A_176 = arith.cmpi ne, %convert_element_type3A_174, %cond3A_175 : i32
        scf.if %cond3A_176 {
          %add3A_190 = arith.constant 2 : i32
          %add3A_191 = arith.addi %scan3A_84, %add3A_190 : i32
          %mul3A_192 = arith.constant 256 : i32
          %mul3A_193 = arith.muli %add3A_191, %mul3A_192 : i32
          %dma_start3A_194 = arith.constant 0 : i32
          %dma_start3A_195 = arith.constant 0 : i32
          %dma_start3A_196 = tpu.memref_slice %arg12[%dma_start3A_194, %dma_start3A_195] : memref<256x128xf32, #tpu.memory_space<vmem>> -> memref<128x128xf32, #tpu.memory_space<vmem>>
          %dma_start3A_197 = tpu.memref_slice %arg7[%mul3A_193] : memref<6400xi32, #tpu.memory_space<vmem>> -> memref<128xi32, #tpu.memory_space<vmem>>
          %dma_start3A_198 = arith.constant 0 : i32
          %dma_start3A_199 = arith.constant 0 : i32
          %dma_start3A_200 = tpu.memref_slice %arg3[%dma_start3A_198, %dma_start3A_199] : memref<100000x128xf32, #tpu.memory_space<hbm>> -> memref<100000x128xf32, #tpu.memory_space<hbm>>
          tpu.enqueue_indirect_dma source(%dma_start3A_200 : memref<100000x128xf32, #tpu.memory_space<hbm>>) target(%dma_start3A_196 : memref<128x128xf32, #tpu.memory_space<vmem>>) offsets(%dma_start3A_197 : memref<128xi32, #tpu.memory_space<vmem>>) semaphore(%arg15 : memref<!tpu.dma_semaphore, #tpu.memory_space<semaphore_mem>>)
          %mul3A_201 = arith.constant 256 : i32
          %mul3A_202 = arith.muli %add3A_191, %mul3A_201 : i32
          %add3A_203 = arith.constant 128 : i32
          %add3A_204 = arith.addi %mul3A_202, %add3A_203 : i32
          %dma_start3A_205 = arith.constant 128 : i32
          %dma_start3A_206 = arith.constant 0 : i32
          %dma_start3A_207 = tpu.memref_slice %arg12[%dma_start3A_205, %dma_start3A_206] : memref<256x128xf32, #tpu.memory_space<vmem>> -> memref<128x128xf32, #tpu.memory_space<vmem>>
          %dma_start3A_208 = tpu.memref_slice %arg7[%add3A_204] : memref<6400xi32, #tpu.memory_space<vmem>> -> memref<128xi32, #tpu.memory_space<vmem>>
          %dma_start3A_209 = arith.constant 0 : i32
          %dma_start3A_210 = arith.constant 0 : i32
          %dma_start3A_211 = tpu.memref_slice %arg3[%dma_start3A_209, %dma_start3A_210] : memref<100000x128xf32, #tpu.memory_space<hbm>> -> memref<100000x128xf32, #tpu.memory_space<hbm>>
          tpu.enqueue_indirect_dma source(%dma_start3A_211 : memref<100000x128xf32, #tpu.memory_space<hbm>>) target(%dma_start3A_207 : memref<128x128xf32, #tpu.memory_space<vmem>>) offsets(%dma_start3A_208 : memref<128xi32, #tpu.memory_space<vmem>>) semaphore(%arg15 : memref<!tpu.dma_semaphore, #tpu.memory_space<semaphore_mem>>)
        } else {
        }
        %scan3A_177 = arith.constant 0 : i32
        %scan3A_178 = arith.constant 0 : i32
        %scan3A_179 = arith.constant 256 : i32
        %scan3A_180 = arith.addi %scan3A_178, %scan3A_179 : i32
        %scan3A_181 = arith.constant 1 : i32
        scf.for %scan3A_190 = %scan3A_178 to %scan3A_180 step %scan3A_181  : i32 {
          %get3A_191 = arith.index_cast %scan3A_190 : i32 to index
          %get3A_192 = arith.constant 0 : index
          %get3A_193 = tpu.vector_load %arg10[%get3A_191, %get3A_192] {strides = array<i32>} : memref<256x128xf32, #tpu.memory_space<vmem>>, vector<16xf32>,
          %mul3A_194 = arith.mulf %get3A_193, %get3A_6 : vector<16xf32>
          %add3A_195 = arith.addf %mul3A_194, %get3A_22 : vector<16xf32>
          %swap3A = arith.index_cast %scan3A_190 : i32 to index
          %swap3A_196 = arith.constant 0 : index
          %swap3A_197 = tpu.vector_load %arg10[%swap3A, %swap3A_196] {strides = array<i32>} : memref<256x128xf32, #tpu.memory_space<vmem>>, vector<16xf32>,
          tpu.vector_store %arg10[%swap3A, %swap3A_196], %add3A_195 {strides = array<i32>} : memref<256x128xf32, #tpu.memory_space<vmem>>, vector<16xf32>,
          %get3A_198 = arith.index_cast %scan3A_190 : i32 to index
          %get3A_199 = arith.constant 16 : index
          %get3A_200 = tpu.vector_load %arg10[%get3A_198, %get3A_199] {strides = array<i32>} : memref<256x128xf32, #tpu.memory_space<vmem>>, vector<16xf32>,
          %mul3A_201 = arith.mulf %get3A_200, %get3A_8 : vector<16xf32>
          %add3A_202 = arith.addf %mul3A_201, %get3A_24 : vector<16xf32>
          %swap3A_203 = arith.index_cast %scan3A_190 : i32 to index
          %swap3A_204 = arith.constant 16 : index
          %swap3A_205 = tpu.vector_load %arg10[%swap3A_203, %swap3A_204] {strides = array<i32>} : memref<256x128xf32, #tpu.memory_space<vmem>>, vector<16xf32>,
          tpu.vector_store %arg10[%swap3A_203, %swap3A_204], %add3A_202 {strides = array<i32>} : memref<256x128xf32, #tpu.memory_space<vmem>>, vector<16xf32>,
          %get3A_206 = arith.index_cast %scan3A_190 : i32 to index
          %get3A_207 = arith.constant 32 : index
          %get3A_208 = tpu.vector_load %arg10[%get3A_206, %get3A_207] {strides = array<i32>} : memref<256x128xf32, #tpu.memory_space<vmem>>, vector<16xf32>,
          %mul3A_209 = arith.mulf %get3A_208, %get3A_10 : vector<16xf32>
          %add3A_210 = arith.addf %mul3A_209, %get3A_26 : vector<16xf32>
          %swap3A_211 = arith.index_cast %scan3A_190 : i32 to index
          %swap3A_212 = arith.constant 32 : index
          %swap3A_213 = tpu.vector_load %arg10[%swap3A_211, %swap3A_212] {strides = array<i32>} : memref<256x128xf32, #tpu.memory_space<vmem>>, vector<16xf32>,
          tpu.vector_store %arg10[%swap3A_211, %swap3A_212], %add3A_210 {strides = array<i32>} : memref<256x128xf32, #tpu.memory_space<vmem>>, vector<16xf32>,
          %get3A_214 = arith.index_cast %scan3A_190 : i32 to index
          %get3A_215 = arith.constant 48 : index
          %get3A_216 = tpu.vector_load %arg10[%get3A_214, %get3A_215] {strides = array<i32>} : memref<256x128xf32, #tpu.memory_space<vmem>>, vector<16xf32>,
          %mul3A_217 = arith.mulf %get3A_216, %get3A_12 : vector<16xf32>
          %add3A_218 = arith.addf %mul3A_217, %get3A_28 : vector<16xf32>
          %swap3A_219 = arith.index_cast %scan3A_190 : i32 to index
          %swap3A_220 = arith.constant 48 : index
          %swap3A_221 = tpu.vector_load %arg10[%swap3A_219, %swap3A_220] {strides = array<i32>} : memref<256x128xf32, #tpu.memory_space<vmem>>, vector<16xf32>,
          tpu.vector_store %arg10[%swap3A_219, %swap3A_220], %add3A_218 {strides = array<i32>} : memref<256x128xf32, #tpu.memory_space<vmem>>, vector<16xf32>,
          %get3A_222 = arith.index_cast %scan3A_190 : i32 to index
          %get3A_223 = arith.constant 64 : index
          %get3A_224 = tpu.vector_load %arg10[%get3A_222, %get3A_223] {strides = array<i32>} : memref<256x128xf32, #tpu.memory_space<vmem>>, vector<16xf32>,
          %mul3A_225 = arith.mulf %get3A_224, %get3A_14 : vector<16xf32>
          %add3A_226 = arith.addf %mul3A_225, %get3A_30 : vector<16xf32>
          %swap3A_227 = arith.index_cast %scan3A_190 : i32 to index
          %swap3A_228 = arith.constant 64 : index
          %swap3A_229 = tpu.vector_load %arg10[%swap3A_227, %swap3A_228] {strides = array<i32>} : memref<256x128xf32, #tpu.memory_space<vmem>>, vector<16xf32>,
          tpu.vector_store %arg10[%swap3A_227, %swap3A_228], %add3A_226 {strides = array<i32>} : memref<256x128xf32, #tpu.memory_space<vmem>>, vector<16xf32>,
          %get3A_230 = arith.index_cast %scan3A_190 : i32 to index
          %get3A_231 = arith.constant 80 : index
          %get3A_232 = tpu.vector_load %arg10[%get3A_230, %get3A_231] {strides = array<i32>} : memref<256x128xf32, #tpu.memory_space<vmem>>, vector<16xf32>,
          %mul3A_233 = arith.mulf %get3A_232, %get3A_16 : vector<16xf32>
          %add3A_234 = arith.addf %mul3A_233, %get3A_32 : vector<16xf32>
          %swap3A_235 = arith.index_cast %scan3A_190 : i32 to index
          %swap3A_236 = arith.constant 80 : index
          %swap3A_237 = tpu.vector_load %arg10[%swap3A_235, %swap3A_236] {strides = array<i32>} : memref<256x128xf32, #tpu.memory_space<vmem>>, vector<16xf32>,
          tpu.vector_store %arg10[%swap3A_235, %swap3A_236], %add3A_234 {strides = array<i32>} : memref<256x128xf32, #tpu.memory_space<vmem>>, vector<16xf32>,
          %get3A_238 = arith.index_cast %scan3A_190 : i32 to index
          %get3A_239 = arith.constant 96 : index
          %get3A_240 = tpu.vector_load %arg10[%get3A_238, %get3A_239] {strides = array<i32>} : memref<256x128xf32, #tpu.memory_space<vmem>>, vector<16xf32>,
          %mul3A_241 = arith.mulf %get3A_240, %get3A_18 : vector<16xf32>
          %add3A_242 = arith.addf %mul3A_241, %get3A_34 : vector<16xf32>
          %swap3A_243 = arith.index_cast %scan3A_190 : i32 to index
          %swap3A_244 = arith.constant 96 : index
          %swap3A_245 = tpu.vector_load %arg10[%swap3A_243, %swap3A_244] {strides = array<i32>} : memref<256x128xf32, #tpu.memory_space<vmem>>, vector<16xf32>,
          tpu.vector_store %arg10[%swap3A_243, %swap3A_244], %add3A_242 {strides = array<i32>} : memref<256x128xf32, #tpu.memory_space<vmem>>, vector<16xf32>,
          %get3A_246 = arith.index_cast %scan3A_190 : i32 to index
          %get3A_247 = arith.constant 112 : index
          %get3A_248 = tpu.vector_load %arg10[%get3A_246, %get3A_247] {strides = array<i32>} : memref<256x128xf32, #tpu.memory_space<vmem>>, vector<16xf32>,
          %mul3A_249 = arith.mulf %get3A_248, %get3A_20 : vector<16xf32>
          %add3A_250 = arith.addf %mul3A_249, %get3A_36 : vector<16xf32>
          %swap3A_251 = arith.index_cast %scan3A_190 : i32 to index
          %swap3A_252 = arith.constant 112 : index
          %swap3A_253 = tpu.vector_load %arg10[%swap3A_251, %swap3A_252] {strides = array<i32>} : memref<256x128xf32, #tpu.memory_space<vmem>>, vector<16xf32>,
          tpu.vector_store %arg10[%swap3A_251, %swap3A_252], %add3A_250 {strides = array<i32>} : memref<256x128xf32, #tpu.memory_space<vmem>>, vector<16xf32>,
        }
        %scan3A_182 = arith.constant 256 : i32
        %mul3A_183 = arith.constant 256 : i32
        %mul3A_184 = arith.muli %scan3A_84, %mul3A_183 : i32
        %add3A_185 = arith.addi %mul3A_2, %mul3A_184 : i32
        %dma_start3A_186 = arith.constant 0 : i32
        %dma_start3A_187 = tpu.memref_slice %arg6[%add3A_185, %dma_start3A_186] : memref<204800x128xf32, #tpu.memory_space<hbm>> -> memref<256x128xf32, #tpu.memory_space<hbm>>
        %dma_start3A_188 = arith.constant 0 : i32
        %dma_start3A_189 = tpu.memref_slice %arg6[%add3A_185, %dma_start3A_188] : memref<204800x128xf32, #tpu.memory_space<hbm>> -> memref<256x128xf32, #tpu.memory_space<hbm>>
        tpu.enqueue_dma source(%arg10 : memref<256x128xf32, #tpu.memory_space<vmem>>) target(%dma_start3A_189 : memref<256x128xf32, #tpu.memory_space<hbm>>) target_semaphore(%arg16 : memref<!tpu.dma_semaphore, #tpu.memory_space<semaphore_mem>>)
      } else {
      }
      %jit3A_97 = arith.constant 3 : i32
      %eq3A_98 = arith.constant 0 : i32
      %eq3A_99 = arith.cmpi eq, %jit3A_97, %eq3A_98 : i32
      %jit3A_100 = arith.constant 1 : i32
      %select_n3A_101 = arith.select %eq3A_99, %jit3A_100, %jit3A_97 : i32
      %rem3A_102 = arith.remsi %scan3A_84, %select_n3A_101 : i32
      %ne3A_103 = arith.constant 0 : i32
      %ne3A_104 = arith.cmpi ne, %rem3A_102, %ne3A_103 : i32
      %lt3A_105 = arith.constant 0 : i32
      %lt3A_106 = arith.cmpi slt, %rem3A_102, %lt3A_105 : i32
      %lt3A_107 = arith.constant 0 : i32
      %lt3A_108 = arith.cmpi slt, %select_n3A_101, %lt3A_107 : i32
      %ne3A_109 = arith.xori %lt3A_106, %lt3A_108 : i1
      %and3A_110 = arith.andi %ne3A_109, %ne3A_104 : i1
      %add3A_111 = arith.addi %rem3A_102, %select_n3A_101 : i32
      %select_n3A_112 = arith.select %and3A_110, %add3A_111, %rem3A_102 : i32
      %eq3A_113 = arith.constant 1 : i32
      %eq3A_114 = arith.cmpi eq, %select_n3A_112, %eq3A_113 : i32
      %convert_element_type3A_115 = arith.extui %eq3A_114 : i1 to i32
      %cond3A_116 = arith.constant 0 : i32
      %cond3A_117 = arith.cmpi ne, %convert_element_type3A_115, %cond3A_116 : i32
      scf.if %cond3A_117 {
        %mul3A_139 = arith.constant 256 : i32
        %mul3A_140 = arith.muli %scan3A_84, %mul3A_139 : i32
        %add3A_141 = arith.constant 0 : i32
        %add3A_142 = arith.addi %mul3A_140, %add3A_141 : i32
        %dma_wait3A_143 = arith.constant 0 : i32
        %dma_wait3A_144 = arith.constant 0 : i32
        %dma_wait3A_145 = tpu.memref_slice %arg11[%dma_wait3A_143, %dma_wait3A_144] : memref<256x128xf32, #tpu.memory_space<vmem>> -> memref<128x128xf32, #tpu.memory_space<vmem>>
        %dma_wait3A_146 = tpu.memref_slice %arg7[%add3A_142] : memref<6400xi32, #tpu.memory_space<vmem>> -> memref<128xi32, #tpu.memory_space<vmem>>
        %dma_wait3A_147 = arith.constant 0 : i32
        %dma_wait3A_148 = arith.constant 0 : i32
        %dma_wait3A_149 = tpu.memref_slice %arg3[%dma_wait3A_147, %dma_wait3A_148] : memref<100000x128xf32, #tpu.memory_space<hbm>> -> memref<100000x128xf32, #tpu.memory_space<hbm>>
        tpu.wait_indirect_dma semaphore(%arg14 : memref<!tpu.dma_semaphore, #tpu.memory_space<semaphore_mem>>) src(%dma_wait3A_149 : memref<100000x128xf32, #tpu.memory_space<hbm>>) dst(%dma_wait3A_145 : memref<128x128xf32, #tpu.memory_space<vmem>>)
        %mul3A_150 = arith.constant 256 : i32
        %mul3A_151 = arith.muli %scan3A_84, %mul3A_150 : i32
        %add3A_152 = arith.constant 128 : i32
        %add3A_153 = arith.addi %mul3A_151, %add3A_152 : i32
        %dma_wait3A_154 = arith.constant 128 : i32
        %dma_wait3A_155 = arith.constant 0 : i32
        %dma_wait3A_156 = tpu.memref_slice %arg11[%dma_wait3A_154, %dma_wait3A_155] : memref<256x128xf32, #tpu.memory_space<vmem>> -> memref<128x128xf32, #tpu.memory_space<vmem>>
        %dma_wait3A_157 = tpu.memref_slice %arg7[%add3A_153] : memref<6400xi32, #tpu.memory_space<vmem>> -> memref<128xi32, #tpu.memory_space<vmem>>
        %dma_wait3A_158 = arith.constant 0 : i32
        %dma_wait3A_159 = arith.constant 0 : i32
        %dma_wait3A_160 = tpu.memref_slice %arg3[%dma_wait3A_158, %dma_wait3A_159] : memref<100000x128xf32, #tpu.memory_space<hbm>> -> memref<100000x128xf32, #tpu.memory_space<hbm>>
        tpu.wait_indirect_dma semaphore(%arg14 : memref<!tpu.dma_semaphore, #tpu.memory_space<semaphore_mem>>) src(%dma_wait3A_160 : memref<100000x128xf32, #tpu.memory_space<hbm>>) dst(%dma_wait3A_156 : memref<128x128xf32, #tpu.memory_space<vmem>>)
        %ge3A = arith.constant 1 : i32
        %ge3A_161 = arith.cmpi sge, %scan3A_84, %ge3A : i32
        %add3A_162 = arith.constant 2 : i32
        %add3A_163 = arith.addi %scan3A_84, %add3A_162 : i32
        %lt3A_164 = arith.constant 25 : i32
        %lt3A_165 = arith.cmpi slt, %add3A_163, %lt3A_164 : i32
        %and3A_166 = arith.andi %ge3A_161, %lt3A_165 : i1
        %convert_element_type3A_167 = arith.extui %and3A_166 : i1 to i32
        %cond3A_168 = arith.constant 0 : i32
        %cond3A_169 = arith.cmpi ne, %convert_element_type3A_167, %cond3A_168 : i32
        scf.if %cond3A_169 {
          %dma_wait3A_190 = arith.constant 0 : i32
          %dma_wait3A_191 = tpu.memref_slice %arg6[%mul3A_2, %dma_wait3A_190] : memref<204800x128xf32, #tpu.memory_space<hbm>> -> memref<256x128xf32, #tpu.memory_space<hbm>>
          %dma_wait3A_192 = arith.constant 0 : i32
          %dma_wait3A_193 = tpu.memref_slice %arg6[%mul3A_2, %dma_wait3A_192] : memref<204800x128xf32, #tpu.memory_space<hbm>> -> memref<256x128xf32, #tpu.memory_space<hbm>>
          tpu.wait_dma2 semaphore(%arg16 : memref<!tpu.dma_semaphore, #tpu.memory_space<semaphore_mem>>) src(%arg10 : memref<256x128xf32, #tpu.memory_space<vmem>>) dst(%dma_wait3A_193 : memref<256x128xf32, #tpu.memory_space<hbm>>)
        } else {
        }
        %add3A_170 = arith.constant 2 : i32
        %add3A_171 = arith.addi %scan3A_84, %add3A_170 : i32
        %lt3A_172 = arith.constant 25 : i32
        %lt3A_173 = arith.cmpi slt, %add3A_171, %lt3A_172 : i32
        %convert_element_type3A_174 = arith.extui %lt3A_173 : i1 to i32
        %cond3A_175 = arith.constant 0 : i32
        %cond3A_176 = arith.cmpi ne, %convert_element_type3A_174, %cond3A_175 : i32
        scf.if %cond3A_176 {
          %add3A_190 = arith.constant 2 : i32
          %add3A_191 = arith.addi %scan3A_84, %add3A_190 : i32
          %mul3A_192 = arith.constant 256 : i32
          %mul3A_193 = arith.muli %add3A_191, %mul3A_192 : i32
          %dma_start3A_194 = arith.constant 0 : i32
          %dma_start3A_195 = arith.constant 0 : i32
          %dma_start3A_196 = tpu.memref_slice %arg10[%dma_start3A_194, %dma_start3A_195] : memref<256x128xf32, #tpu.memory_space<vmem>> -> memref<128x128xf32, #tpu.memory_space<vmem>>
          %dma_start3A_197 = tpu.memref_slice %arg7[%mul3A_193] : memref<6400xi32, #tpu.memory_space<vmem>> -> memref<128xi32, #tpu.memory_space<vmem>>
          %dma_start3A_198 = arith.constant 0 : i32
          %dma_start3A_199 = arith.constant 0 : i32
          %dma_start3A_200 = tpu.memref_slice %arg3[%dma_start3A_198, %dma_start3A_199] : memref<100000x128xf32, #tpu.memory_space<hbm>> -> memref<100000x128xf32, #tpu.memory_space<hbm>>
          tpu.enqueue_indirect_dma source(%dma_start3A_200 : memref<100000x128xf32, #tpu.memory_space<hbm>>) target(%dma_start3A_196 : memref<128x128xf32, #tpu.memory_space<vmem>>) offsets(%dma_start3A_197 : memref<128xi32, #tpu.memory_space<vmem>>) semaphore(%arg13 : memref<!tpu.dma_semaphore, #tpu.memory_space<semaphore_mem>>)
          %mul3A_201 = arith.constant 256 : i32
          %mul3A_202 = arith.muli %add3A_191, %mul3A_201 : i32
          %add3A_203 = arith.constant 128 : i32
          %add3A_204 = arith.addi %mul3A_202, %add3A_203 : i32
          %dma_start3A_205 = arith.constant 128 : i32
          %dma_start3A_206 = arith.constant 0 : i32
          %dma_start3A_207 = tpu.memref_slice %arg10[%dma_start3A_205, %dma_start3A_206] : memref<256x128xf32, #tpu.memory_space<vmem>> -> memref<128x128xf32, #tpu.memory_space<vmem>>
          %dma_start3A_208 = tpu.memref_slice %arg7[%add3A_204] : memref<6400xi32, #tpu.memory_space<vmem>> -> memref<128xi32, #tpu.memory_space<vmem>>
          %dma_start3A_209 = arith.constant 0 : i32
          %dma_start3A_210 = arith.constant 0 : i32
          %dma_start3A_211 = tpu.memref_slice %arg3[%dma_start3A_209, %dma_start3A_210] : memref<100000x128xf32, #tpu.memory_space<hbm>> -> memref<100000x128xf32, #tpu.memory_space<hbm>>
          tpu.enqueue_indirect_dma source(%dma_start3A_211 : memref<100000x128xf32, #tpu.memory_space<hbm>>) target(%dma_start3A_207 : memref<128x128xf32, #tpu.memory_space<vmem>>) offsets(%dma_start3A_208 : memref<128xi32, #tpu.memory_space<vmem>>) semaphore(%arg13 : memref<!tpu.dma_semaphore, #tpu.memory_space<semaphore_mem>>)
        } else {
        }
        %scan3A_177 = arith.constant 0 : i32
        %scan3A_178 = arith.constant 0 : i32
        %scan3A_179 = arith.constant 256 : i32
        %scan3A_180 = arith.addi %scan3A_178, %scan3A_179 : i32
        %scan3A_181 = arith.constant 1 : i32
        scf.for %scan3A_190 = %scan3A_178 to %scan3A_180 step %scan3A_181  : i32 {
          %get3A_191 = arith.index_cast %scan3A_190 : i32 to index
          %get3A_192 = arith.constant 0 : index
          %get3A_193 = tpu.vector_load %arg11[%get3A_191, %get3A_192] {strides = array<i32>} : memref<256x128xf32, #tpu.memory_space<vmem>>, vector<16xf32>,
          %mul3A_194 = arith.mulf %get3A_193, %get3A_6 : vector<16xf32>
          %add3A_195 = arith.addf %mul3A_194, %get3A_22 : vector<16xf32>
          %swap3A = arith.index_cast %scan3A_190 : i32 to index
          %swap3A_196 = arith.constant 0 : index
          %swap3A_197 = tpu.vector_load %arg11[%swap3A, %swap3A_196] {strides = array<i32>} : memref<256x128xf32, #tpu.memory_space<vmem>>, vector<16xf32>,
          tpu.vector_store %arg11[%swap3A, %swap3A_196], %add3A_195 {strides = array<i32>} : memref<256x128xf32, #tpu.memory_space<vmem>>, vector<16xf32>,
          %get3A_198 = arith.index_cast %scan3A_190 : i32 to index
          %get3A_199 = arith.constant 16 : index
          %get3A_200 = tpu.vector_load %arg11[%get3A_198, %get3A_199] {strides = array<i32>} : memref<256x128xf32, #tpu.memory_space<vmem>>, vector<16xf32>,
          %mul3A_201 = arith.mulf %get3A_200, %get3A_8 : vector<16xf32>
          %add3A_202 = arith.addf %mul3A_201, %get3A_24 : vector<16xf32>
          %swap3A_203 = arith.index_cast %scan3A_190 : i32 to index
          %swap3A_204 = arith.constant 16 : index
          %swap3A_205 = tpu.vector_load %arg11[%swap3A_203, %swap3A_204] {strides = array<i32>} : memref<256x128xf32, #tpu.memory_space<vmem>>, vector<16xf32>,
          tpu.vector_store %arg11[%swap3A_203, %swap3A_204], %add3A_202 {strides = array<i32>} : memref<256x128xf32, #tpu.memory_space<vmem>>, vector<16xf32>,
          %get3A_206 = arith.index_cast %scan3A_190 : i32 to index
          %get3A_207 = arith.constant 32 : index
          %get3A_208 = tpu.vector_load %arg11[%get3A_206, %get3A_207] {strides = array<i32>} : memref<256x128xf32, #tpu.memory_space<vmem>>, vector<16xf32>,
          %mul3A_209 = arith.mulf %get3A_208, %get3A_10 : vector<16xf32>
          %add3A_210 = arith.addf %mul3A_209, %get3A_26 : vector<16xf32>
          %swap3A_211 = arith.index_cast %scan3A_190 : i32 to index
          %swap3A_212 = arith.constant 32 : index
          %swap3A_213 = tpu.vector_load %arg11[%swap3A_211, %swap3A_212] {strides = array<i32>} : memref<256x128xf32, #tpu.memory_space<vmem>>, vector<16xf32>,
          tpu.vector_store %arg11[%swap3A_211, %swap3A_212], %add3A_210 {strides = array<i32>} : memref<256x128xf32, #tpu.memory_space<vmem>>, vector<16xf32>,
          %get3A_214 = arith.index_cast %scan3A_190 : i32 to index
          %get3A_215 = arith.constant 48 : index
          %get3A_216 = tpu.vector_load %arg11[%get3A_214, %get3A_215] {strides = array<i32>} : memref<256x128xf32, #tpu.memory_space<vmem>>, vector<16xf32>,
          %mul3A_217 = arith.mulf %get3A_216, %get3A_12 : vector<16xf32>
          %add3A_218 = arith.addf %mul3A_217, %get3A_28 : vector<16xf32>
          %swap3A_219 = arith.index_cast %scan3A_190 : i32 to index
          %swap3A_220 = arith.constant 48 : index
          %swap3A_221 = tpu.vector_load %arg11[%swap3A_219, %swap3A_220] {strides = array<i32>} : memref<256x128xf32, #tpu.memory_space<vmem>>, vector<16xf32>,
          tpu.vector_store %arg11[%swap3A_219, %swap3A_220], %add3A_218 {strides = array<i32>} : memref<256x128xf32, #tpu.memory_space<vmem>>, vector<16xf32>,
          %get3A_222 = arith.index_cast %scan3A_190 : i32 to index
          %get3A_223 = arith.constant 64 : index
          %get3A_224 = tpu.vector_load %arg11[%get3A_222, %get3A_223] {strides = array<i32>} : memref<256x128xf32, #tpu.memory_space<vmem>>, vector<16xf32>,
          %mul3A_225 = arith.mulf %get3A_224, %get3A_14 : vector<16xf32>
          %add3A_226 = arith.addf %mul3A_225, %get3A_30 : vector<16xf32>
          %swap3A_227 = arith.index_cast %scan3A_190 : i32 to index
          %swap3A_228 = arith.constant 64 : index
          %swap3A_229 = tpu.vector_load %arg11[%swap3A_227, %swap3A_228] {strides = array<i32>} : memref<256x128xf32, #tpu.memory_space<vmem>>, vector<16xf32>,
          tpu.vector_store %arg11[%swap3A_227, %swap3A_228], %add3A_226 {strides = array<i32>} : memref<256x128xf32, #tpu.memory_space<vmem>>, vector<16xf32>,
          %get3A_230 = arith.index_cast %scan3A_190 : i32 to index
          %get3A_231 = arith.constant 80 : index
          %get3A_232 = tpu.vector_load %arg11[%get3A_230, %get3A_231] {strides = array<i32>} : memref<256x128xf32, #tpu.memory_space<vmem>>, vector<16xf32>,
          %mul3A_233 = arith.mulf %get3A_232, %get3A_16 : vector<16xf32>
          %add3A_234 = arith.addf %mul3A_233, %get3A_32 : vector<16xf32>
          %swap3A_235 = arith.index_cast %scan3A_190 : i32 to index
          %swap3A_236 = arith.constant 80 : index
          %swap3A_237 = tpu.vector_load %arg11[%swap3A_235, %swap3A_236] {strides = array<i32>} : memref<256x128xf32, #tpu.memory_space<vmem>>, vector<16xf32>,
          tpu.vector_store %arg11[%swap3A_235, %swap3A_236], %add3A_234 {strides = array<i32>} : memref<256x128xf32, #tpu.memory_space<vmem>>, vector<16xf32>,
          %get3A_238 = arith.index_cast %scan3A_190 : i32 to index
          %get3A_239 = arith.constant 96 : index
          %get3A_240 = tpu.vector_load %arg11[%get3A_238, %get3A_239] {strides = array<i32>} : memref<256x128xf32, #tpu.memory_space<vmem>>, vector<16xf32>,
          %mul3A_241 = arith.mulf %get3A_240, %get3A_18 : vector<16xf32>
          %add3A_242 = arith.addf %mul3A_241, %get3A_34 : vector<16xf32>
          %swap3A_243 = arith.index_cast %scan3A_190 : i32 to index
          %swap3A_244 = arith.constant 96 : index
          %swap3A_245 = tpu.vector_load %arg11[%swap3A_243, %swap3A_244] {strides = array<i32>} : memref<256x128xf32, #tpu.memory_space<vmem>>, vector<16xf32>,
          tpu.vector_store %arg11[%swap3A_243, %swap3A_244], %add3A_242 {strides = array<i32>} : memref<256x128xf32, #tpu.memory_space<vmem>>, vector<16xf32>,
          %get3A_246 = arith.index_cast %scan3A_190 : i32 to index
          %get3A_247 = arith.constant 112 : index
          %get3A_248 = tpu.vector_load %arg11[%get3A_246, %get3A_247] {strides = array<i32>} : memref<256x128xf32, #tpu.memory_space<vmem>>, vector<16xf32>,
          %mul3A_249 = arith.mulf %get3A_248, %get3A_20 : vector<16xf32>
          %add3A_250 = arith.addf %mul3A_249, %get3A_36 : vector<16xf32>
          %swap3A_251 = arith.index_cast %scan3A_190 : i32 to index
          %swap3A_252 = arith.constant 112 : index
          %swap3A_253 = tpu.vector_load %arg11[%swap3A_251, %swap3A_252] {strides = array<i32>} : memref<256x128xf32, #tpu.memory_space<vmem>>, vector<16xf32>,
          tpu.vector_store %arg11[%swap3A_251, %swap3A_252], %add3A_250 {strides = array<i32>} : memref<256x128xf32, #tpu.memory_space<vmem>>, vector<16xf32>,
        }
        %scan3A_182 = arith.constant 256 : i32
        %mul3A_183 = arith.constant 256 : i32
        %mul3A_184 = arith.muli %scan3A_84, %mul3A_183 : i32
        %add3A_185 = arith.addi %mul3A_2, %mul3A_184 : i32
        %dma_start3A_186 = arith.constant 0 : i32
        %dma_start3A_187 = tpu.memref_slice %arg6[%add3A_185, %dma_start3A_186] : memref<204800x128xf32, #tpu.memory_space<hbm>> -> memref<256x128xf32, #tpu.memory_space<hbm>>
        %dma_start3A_188 = arith.constant 0 : i32
        %dma_start3A_189 = tpu.memref_slice %arg6[%add3A_185, %dma_start3A_188] : memref<204800x128xf32, #tpu.memory_space<hbm>> -> memref<256x128xf32, #tpu.memory_space<hbm>>
        tpu.enqueue_dma source(%arg11 : memref<256x128xf32, #tpu.memory_space<vmem>>) target(%dma_start3A_189 : memref<256x128xf32, #tpu.memory_space<hbm>>) target_semaphore(%arg17 : memref<!tpu.dma_semaphore, #tpu.memory_space<semaphore_mem>>)
      } else {
      }
      %jit3A_118 = arith.constant 3 : i32
      %eq3A_119 = arith.constant 0 : i32
      %eq3A_120 = arith.cmpi eq, %jit3A_118, %eq3A_119 : i32
      %jit3A_121 = arith.constant 1 : i32
      %select_n3A_122 = arith.select %eq3A_120, %jit3A_121, %jit3A_118 : i32
      %rem3A_123 = arith.remsi %scan3A_84, %select_n3A_122 : i32
      %ne3A_124 = arith.constant 0 : i32
      %ne3A_125 = arith.cmpi ne, %rem3A_123, %ne3A_124 : i32
      %lt3A_126 = arith.constant 0 : i32
      %lt3A_127 = arith.cmpi slt, %rem3A_123, %lt3A_126 : i32
      %lt3A_128 = arith.constant 0 : i32
      %lt3A_129 = arith.cmpi slt, %select_n3A_122, %lt3A_128 : i32
      %ne3A_130 = arith.xori %lt3A_127, %lt3A_129 : i1
      %and3A_131 = arith.andi %ne3A_130, %ne3A_125 : i1
      %add3A_132 = arith.addi %rem3A_123, %select_n3A_122 : i32
      %select_n3A_133 = arith.select %and3A_131, %add3A_132, %rem3A_123 : i32
      %eq3A_134 = arith.constant 2 : i32
      %eq3A_135 = arith.cmpi eq, %select_n3A_133, %eq3A_134 : i32
      %convert_element_type3A_136 = arith.extui %eq3A_135 : i1 to i32
      %cond3A_137 = arith.constant 0 : i32
      %cond3A_138 = arith.cmpi ne, %convert_element_type3A_136, %cond3A_137 : i32
      scf.if %cond3A_138 {
        %mul3A_139 = arith.constant 256 : i32
        %mul3A_140 = arith.muli %scan3A_84, %mul3A_139 : i32
        %add3A_141 = arith.constant 0 : i32
        %add3A_142 = arith.addi %mul3A_140, %add3A_141 : i32
        %dma_wait3A_143 = arith.constant 0 : i32
        %dma_wait3A_144 = arith.constant 0 : i32
        %dma_wait3A_145 = tpu.memref_slice %arg12[%dma_wait3A_143, %dma_wait3A_144] : memref<256x128xf32, #tpu.memory_space<vmem>> -> memref<128x128xf32, #tpu.memory_space<vmem>>
        %dma_wait3A_146 = tpu.memref_slice %arg7[%add3A_142] : memref<6400xi32, #tpu.memory_space<vmem>> -> memref<128xi32, #tpu.memory_space<vmem>>
        %dma_wait3A_147 = arith.constant 0 : i32
        %dma_wait3A_148 = arith.constant 0 : i32
        %dma_wait3A_149 = tpu.memref_slice %arg3[%dma_wait3A_147, %dma_wait3A_148] : memref<100000x128xf32, #tpu.memory_space<hbm>> -> memref<100000x128xf32, #tpu.memory_space<hbm>>
        tpu.wait_indirect_dma semaphore(%arg15 : memref<!tpu.dma_semaphore, #tpu.memory_space<semaphore_mem>>) src(%dma_wait3A_149 : memref<100000x128xf32, #tpu.memory_space<hbm>>) dst(%dma_wait3A_145 : memref<128x128xf32, #tpu.memory_space<vmem>>)
        %mul3A_150 = arith.constant 256 : i32
        %mul3A_151 = arith.muli %scan3A_84, %mul3A_150 : i32
        %add3A_152 = arith.constant 128 : i32
        %add3A_153 = arith.addi %mul3A_151, %add3A_152 : i32
        %dma_wait3A_154 = arith.constant 128 : i32
        %dma_wait3A_155 = arith.constant 0 : i32
        %dma_wait3A_156 = tpu.memref_slice %arg12[%dma_wait3A_154, %dma_wait3A_155] : memref<256x128xf32, #tpu.memory_space<vmem>> -> memref<128x128xf32, #tpu.memory_space<vmem>>
        %dma_wait3A_157 = tpu.memref_slice %arg7[%add3A_153] : memref<6400xi32, #tpu.memory_space<vmem>> -> memref<128xi32, #tpu.memory_space<vmem>>
        %dma_wait3A_158 = arith.constant 0 : i32
        %dma_wait3A_159 = arith.constant 0 : i32
        %dma_wait3A_160 = tpu.memref_slice %arg3[%dma_wait3A_158, %dma_wait3A_159] : memref<100000x128xf32, #tpu.memory_space<hbm>> -> memref<100000x128xf32, #tpu.memory_space<hbm>>
        tpu.wait_indirect_dma semaphore(%arg15 : memref<!tpu.dma_semaphore, #tpu.memory_space<semaphore_mem>>) src(%dma_wait3A_160 : memref<100000x128xf32, #tpu.memory_space<hbm>>) dst(%dma_wait3A_156 : memref<128x128xf32, #tpu.memory_space<vmem>>)
        %ge3A = arith.constant 1 : i32
        %ge3A_161 = arith.cmpi sge, %scan3A_84, %ge3A : i32
        %add3A_162 = arith.constant 2 : i32
        %add3A_163 = arith.addi %scan3A_84, %add3A_162 : i32
        %lt3A_164 = arith.constant 25 : i32
        %lt3A_165 = arith.cmpi slt, %add3A_163, %lt3A_164 : i32
        %and3A_166 = arith.andi %ge3A_161, %lt3A_165 : i1
        %convert_element_type3A_167 = arith.extui %and3A_166 : i1 to i32
        %cond3A_168 = arith.constant 0 : i32
        %cond3A_169 = arith.cmpi ne, %convert_element_type3A_167, %cond3A_168 : i32
        scf.if %cond3A_169 {
          %dma_wait3A_190 = arith.constant 0 : i32
          %dma_wait3A_191 = tpu.memref_slice %arg6[%mul3A_2, %dma_wait3A_190] : memref<204800x128xf32, #tpu.memory_space<hbm>> -> memref<256x128xf32, #tpu.memory_space<hbm>>
          %dma_wait3A_192 = arith.constant 0 : i32
          %dma_wait3A_193 = tpu.memref_slice %arg6[%mul3A_2, %dma_wait3A_192] : memref<204800x128xf32, #tpu.memory_space<hbm>> -> memref<256x128xf32, #tpu.memory_space<hbm>>
          tpu.wait_dma2 semaphore(%arg17 : memref<!tpu.dma_semaphore, #tpu.memory_space<semaphore_mem>>) src(%arg11 : memref<256x128xf32, #tpu.memory_space<vmem>>) dst(%dma_wait3A_193 : memref<256x128xf32, #tpu.memory_space<hbm>>)
        } else {
        }
        %add3A_170 = arith.constant 2 : i32
        %add3A_171 = arith.addi %scan3A_84, %add3A_170 : i32
        %lt3A_172 = arith.constant 25 : i32
        %lt3A_173 = arith.cmpi slt, %add3A_171, %lt3A_172 : i32
        %convert_element_type3A_174 = arith.extui %lt3A_173 : i1 to i32
        %cond3A_175 = arith.constant 0 : i32
        %cond3A_176 = arith.cmpi ne, %convert_element_type3A_174, %cond3A_175 : i32
        scf.if %cond3A_176 {
          %add3A_190 = arith.constant 2 : i32
          %add3A_191 = arith.addi %scan3A_84, %add3A_190 : i32
          %mul3A_192 = arith.constant 256 : i32
          %mul3A_193 = arith.muli %add3A_191, %mul3A_192 : i32
          %dma_start3A_194 = arith.constant 0 : i32
          %dma_start3A_195 = arith.constant 0 : i32
          %dma_start3A_196 = tpu.memref_slice %arg11[%dma_start3A_194, %dma_start3A_195] : memref<256x128xf32, #tpu.memory_space<vmem>> -> memref<128x128xf32, #tpu.memory_space<vmem>>
          %dma_start3A_197 = tpu.memref_slice %arg7[%mul3A_193] : memref<6400xi32, #tpu.memory_space<vmem>> -> memref<128xi32, #tpu.memory_space<vmem>>
          %dma_start3A_198 = arith.constant 0 : i32
          %dma_start3A_199 = arith.constant 0 : i32
          %dma_start3A_200 = tpu.memref_slice %arg3[%dma_start3A_198, %dma_start3A_199] : memref<100000x128xf32, #tpu.memory_space<hbm>> -> memref<100000x128xf32, #tpu.memory_space<hbm>>
          tpu.enqueue_indirect_dma source(%dma_start3A_200 : memref<100000x128xf32, #tpu.memory_space<hbm>>) target(%dma_start3A_196 : memref<128x128xf32, #tpu.memory_space<vmem>>) offsets(%dma_start3A_197 : memref<128xi32, #tpu.memory_space<vmem>>) semaphore(%arg14 : memref<!tpu.dma_semaphore, #tpu.memory_space<semaphore_mem>>)
          %mul3A_201 = arith.constant 256 : i32
          %mul3A_202 = arith.muli %add3A_191, %mul3A_201 : i32
          %add3A_203 = arith.constant 128 : i32
          %add3A_204 = arith.addi %mul3A_202, %add3A_203 : i32
          %dma_start3A_205 = arith.constant 128 : i32
          %dma_start3A_206 = arith.constant 0 : i32
          %dma_start3A_207 = tpu.memref_slice %arg11[%dma_start3A_205, %dma_start3A_206] : memref<256x128xf32, #tpu.memory_space<vmem>> -> memref<128x128xf32, #tpu.memory_space<vmem>>
          %dma_start3A_208 = tpu.memref_slice %arg7[%add3A_204] : memref<6400xi32, #tpu.memory_space<vmem>> -> memref<128xi32, #tpu.memory_space<vmem>>
          %dma_start3A_209 = arith.constant 0 : i32
          %dma_start3A_210 = arith.constant 0 : i32
          %dma_start3A_211 = tpu.memref_slice %arg3[%dma_start3A_209, %dma_start3A_210] : memref<100000x128xf32, #tpu.memory_space<hbm>> -> memref<100000x128xf32, #tpu.memory_space<hbm>>
          tpu.enqueue_indirect_dma source(%dma_start3A_211 : memref<100000x128xf32, #tpu.memory_space<hbm>>) target(%dma_start3A_207 : memref<128x128xf32, #tpu.memory_space<vmem>>) offsets(%dma_start3A_208 : memref<128xi32, #tpu.memory_space<vmem>>) semaphore(%arg14 : memref<!tpu.dma_semaphore, #tpu.memory_space<semaphore_mem>>)
        } else {
        }
        %scan3A_177 = arith.constant 0 : i32
        %scan3A_178 = arith.constant 0 : i32
        %scan3A_179 = arith.constant 256 : i32
        %scan3A_180 = arith.addi %scan3A_178, %scan3A_179 : i32
        %scan3A_181 = arith.constant 1 : i32
        scf.for %scan3A_190 = %scan3A_178 to %scan3A_180 step %scan3A_181  : i32 {
          %get3A_191 = arith.index_cast %scan3A_190 : i32 to index
          %get3A_192 = arith.constant 0 : index
          %get3A_193 = tpu.vector_load %arg12[%get3A_191, %get3A_192] {strides = array<i32>} : memref<256x128xf32, #tpu.memory_space<vmem>>, vector<16xf32>,
          %mul3A_194 = arith.mulf %get3A_193, %get3A_6 : vector<16xf32>
          %add3A_195 = arith.addf %mul3A_194, %get3A_22 : vector<16xf32>
          %swap3A = arith.index_cast %scan3A_190 : i32 to index
          %swap3A_196 = arith.constant 0 : index
          %swap3A_197 = tpu.vector_load %arg12[%swap3A, %swap3A_196] {strides = array<i32>} : memref<256x128xf32, #tpu.memory_space<vmem>>, vector<16xf32>,
          tpu.vector_store %arg12[%swap3A, %swap3A_196], %add3A_195 {strides = array<i32>} : memref<256x128xf32, #tpu.memory_space<vmem>>, vector<16xf32>,
          %get3A_198 = arith.index_cast %scan3A_190 : i32 to index
          %get3A_199 = arith.constant 16 : index
          %get3A_200 = tpu.vector_load %arg12[%get3A_198, %get3A_199] {strides = array<i32>} : memref<256x128xf32, #tpu.memory_space<vmem>>, vector<16xf32>,
          %mul3A_201 = arith.mulf %get3A_200, %get3A_8 : vector<16xf32>
          %add3A_202 = arith.addf %mul3A_201, %get3A_24 : vector<16xf32>
          %swap3A_203 = arith.index_cast %scan3A_190 : i32 to index
          %swap3A_204 = arith.constant 16 : index
          %swap3A_205 = tpu.vector_load %arg12[%swap3A_203, %swap3A_204] {strides = array<i32>} : memref<256x128xf32, #tpu.memory_space<vmem>>, vector<16xf32>,
          tpu.vector_store %arg12[%swap3A_203, %swap3A_204], %add3A_202 {strides = array<i32>} : memref<256x128xf32, #tpu.memory_space<vmem>>, vector<16xf32>,
          %get3A_206 = arith.index_cast %scan3A_190 : i32 to index
          %get3A_207 = arith.constant 32 : index
          %get3A_208 = tpu.vector_load %arg12[%get3A_206, %get3A_207] {strides = array<i32>} : memref<256x128xf32, #tpu.memory_space<vmem>>, vector<16xf32>,
          %mul3A_209 = arith.mulf %get3A_208, %get3A_10 : vector<16xf32>
          %add3A_210 = arith.addf %mul3A_209, %get3A_26 : vector<16xf32>
          %swap3A_211 = arith.index_cast %scan3A_190 : i32 to index
          %swap3A_212 = arith.constant 32 : index
          %swap3A_213 = tpu.vector_load %arg12[%swap3A_211, %swap3A_212] {strides = array<i32>} : memref<256x128xf32, #tpu.memory_space<vmem>>, vector<16xf32>,
          tpu.vector_store %arg12[%swap3A_211, %swap3A_212], %add3A_210 {strides = array<i32>} : memref<256x128xf32, #tpu.memory_space<vmem>>, vector<16xf32>,
          %get3A_214 = arith.index_cast %scan3A_190 : i32 to index
          %get3A_215 = arith.constant 48 : index
          %get3A_216 = tpu.vector_load %arg12[%get3A_214, %get3A_215] {strides = array<i32>} : memref<256x128xf32, #tpu.memory_space<vmem>>, vector<16xf32>,
          %mul3A_217 = arith.mulf %get3A_216, %get3A_12 : vector<16xf32>
          %add3A_218 = arith.addf %mul3A_217, %get3A_28 : vector<16xf32>
          %swap3A_219 = arith.index_cast %scan3A_190 : i32 to index
          %swap3A_220 = arith.constant 48 : index
          %swap3A_221 = tpu.vector_load %arg12[%swap3A_219, %swap3A_220] {strides = array<i32>} : memref<256x128xf32, #tpu.memory_space<vmem>>, vector<16xf32>,
          tpu.vector_store %arg12[%swap3A_219, %swap3A_220], %add3A_218 {strides = array<i32>} : memref<256x128xf32, #tpu.memory_space<vmem>>, vector<16xf32>,
          %get3A_222 = arith.index_cast %scan3A_190 : i32 to index
          %get3A_223 = arith.constant 64 : index
          %get3A_224 = tpu.vector_load %arg12[%get3A_222, %get3A_223] {strides = array<i32>} : memref<256x128xf32, #tpu.memory_space<vmem>>, vector<16xf32>,
          %mul3A_225 = arith.mulf %get3A_224, %get3A_14 : vector<16xf32>
          %add3A_226 = arith.addf %mul3A_225, %get3A_30 : vector<16xf32>
          %swap3A_227 = arith.index_cast %scan3A_190 : i32 to index
          %swap3A_228 = arith.constant 64 : index
          %swap3A_229 = tpu.vector_load %arg12[%swap3A_227, %swap3A_228] {strides = array<i32>} : memref<256x128xf32, #tpu.memory_space<vmem>>, vector<16xf32>,
          tpu.vector_store %arg12[%swap3A_227, %swap3A_228], %add3A_226 {strides = array<i32>} : memref<256x128xf32, #tpu.memory_space<vmem>>, vector<16xf32>,
          %get3A_230 = arith.index_cast %scan3A_190 : i32 to index
          %get3A_231 = arith.constant 80 : index
          %get3A_232 = tpu.vector_load %arg12[%get3A_230, %get3A_231] {strides = array<i32>} : memref<256x128xf32, #tpu.memory_space<vmem>>, vector<16xf32>,
          %mul3A_233 = arith.mulf %get3A_232, %get3A_16 : vector<16xf32>
          %add3A_234 = arith.addf %mul3A_233, %get3A_32 : vector<16xf32>
          %swap3A_235 = arith.index_cast %scan3A_190 : i32 to index
          %swap3A_236 = arith.constant 80 : index
          %swap3A_237 = tpu.vector_load %arg12[%swap3A_235, %swap3A_236] {strides = array<i32>} : memref<256x128xf32, #tpu.memory_space<vmem>>, vector<16xf32>,
          tpu.vector_store %arg12[%swap3A_235, %swap3A_236], %add3A_234 {strides = array<i32>} : memref<256x128xf32, #tpu.memory_space<vmem>>, vector<16xf32>,
          %get3A_238 = arith.index_cast %scan3A_190 : i32 to index
          %get3A_239 = arith.constant 96 : index
          %get3A_240 = tpu.vector_load %arg12[%get3A_238, %get3A_239] {strides = array<i32>} : memref<256x128xf32, #tpu.memory_space<vmem>>, vector<16xf32>,
          %mul3A_241 = arith.mulf %get3A_240, %get3A_18 : vector<16xf32>
          %add3A_242 = arith.addf %mul3A_241, %get3A_34 : vector<16xf32>
          %swap3A_243 = arith.index_cast %scan3A_190 : i32 to index
          %swap3A_244 = arith.constant 96 : index
          %swap3A_245 = tpu.vector_load %arg12[%swap3A_243, %swap3A_244] {strides = array<i32>} : memref<256x128xf32, #tpu.memory_space<vmem>>, vector<16xf32>,
          tpu.vector_store %arg12[%swap3A_243, %swap3A_244], %add3A_242 {strides = array<i32>} : memref<256x128xf32, #tpu.memory_space<vmem>>, vector<16xf32>,
          %get3A_246 = arith.index_cast %scan3A_190 : i32 to index
          %get3A_247 = arith.constant 112 : index
          %get3A_248 = tpu.vector_load %arg12[%get3A_246, %get3A_247] {strides = array<i32>} : memref<256x128xf32, #tpu.memory_space<vmem>>, vector<16xf32>,
          %mul3A_249 = arith.mulf %get3A_248, %get3A_20 : vector<16xf32>
          %add3A_250 = arith.addf %mul3A_249, %get3A_36 : vector<16xf32>
          %swap3A_251 = arith.index_cast %scan3A_190 : i32 to index
          %swap3A_252 = arith.constant 112 : index
          %swap3A_253 = tpu.vector_load %arg12[%swap3A_251, %swap3A_252] {strides = array<i32>} : memref<256x128xf32, #tpu.memory_space<vmem>>, vector<16xf32>,
          tpu.vector_store %arg12[%swap3A_251, %swap3A_252], %add3A_250 {strides = array<i32>} : memref<256x128xf32, #tpu.memory_space<vmem>>, vector<16xf32>,
        }
        %scan3A_182 = arith.constant 256 : i32
        %mul3A_183 = arith.constant 256 : i32
        %mul3A_184 = arith.muli %scan3A_84, %mul3A_183 : i32
        %add3A_185 = arith.addi %mul3A_2, %mul3A_184 : i32
        %dma_start3A_186 = arith.constant 0 : i32
        %dma_start3A_187 = tpu.memref_slice %arg6[%add3A_185, %dma_start3A_186] : memref<204800x128xf32, #tpu.memory_space<hbm>> -> memref<256x128xf32, #tpu.memory_space<hbm>>
        %dma_start3A_188 = arith.constant 0 : i32
        %dma_start3A_189 = tpu.memref_slice %arg6[%add3A_185, %dma_start3A_188] : memref<204800x128xf32, #tpu.memory_space<hbm>> -> memref<256x128xf32, #tpu.memory_space<hbm>>
        tpu.enqueue_dma source(%arg12 : memref<256x128xf32, #tpu.memory_space<vmem>>) target(%dma_start3A_189 : memref<256x128xf32, #tpu.memory_space<hbm>>) target_semaphore(%arg18 : memref<!tpu.dma_semaphore, #tpu.memory_space<semaphore_mem>>)
      } else {
      }
    }
    %scan3A_72 = arith.constant 25 : i32
    %dma_wait3A = arith.constant 0 : i32
    %dma_wait3A_73 = tpu.memref_slice %arg6[%mul3A_2, %dma_wait3A] : memref<204800x128xf32, #tpu.memory_space<hbm>> -> memref<256x128xf32, #tpu.memory_space<hbm>>
    %dma_wait3A_74 = arith.constant 0 : i32
    %dma_wait3A_75 = tpu.memref_slice %arg6[%mul3A_2, %dma_wait3A_74] : memref<204800x128xf32, #tpu.memory_space<hbm>> -> memref<256x128xf32, #tpu.memory_space<hbm>>
    tpu.wait_dma2 semaphore(%arg16 : memref<!tpu.dma_semaphore, #tpu.memory_space<semaphore_mem>>) src(%arg10 : memref<256x128xf32, #tpu.memory_space<vmem>>) dst(%dma_wait3A_75 : memref<256x128xf32, #tpu.memory_space<hbm>>)
    %dma_wait3A_76 = arith.constant 0 : i32
    %dma_wait3A_77 = tpu.memref_slice %arg6[%mul3A_2, %dma_wait3A_76] : memref<204800x128xf32, #tpu.memory_space<hbm>> -> memref<256x128xf32, #tpu.memory_space<hbm>>
    %dma_wait3A_78 = arith.constant 0 : i32
    %dma_wait3A_79 = tpu.memref_slice %arg6[%mul3A_2, %dma_wait3A_78] : memref<204800x128xf32, #tpu.memory_space<hbm>> -> memref<256x128xf32, #tpu.memory_space<hbm>>
    tpu.wait_dma2 semaphore(%arg17 : memref<!tpu.dma_semaphore, #tpu.memory_space<semaphore_mem>>) src(%arg11 : memref<256x128xf32, #tpu.memory_space<vmem>>) dst(%dma_wait3A_79 : memref<256x128xf32, #tpu.memory_space<hbm>>)
    %dma_wait3A_80 = arith.constant 0 : i32
    %dma_wait3A_81 = tpu.memref_slice %arg6[%mul3A_2, %dma_wait3A_80] : memref<204800x128xf32, #tpu.memory_space<hbm>> -> memref<256x128xf32, #tpu.memory_space<hbm>>
    %dma_wait3A_82 = arith.constant 0 : i32
    %dma_wait3A_83 = tpu.memref_slice %arg6[%mul3A_2, %dma_wait3A_82] : memref<204800x128xf32, #tpu.memory_space<hbm>> -> memref<256x128xf32, #tpu.memory_space<hbm>>
    tpu.wait_dma2 semaphore(%arg18 : memref<!tpu.dma_semaphore, #tpu.memory_space<semaphore_mem>>) src(%arg12 : memref<256x128xf32, #tpu.memory_space<vmem>>) dst(%dma_wait3A_83 : memref<256x128xf32, #tpu.memory_space<hbm>>)
    return
  }
}

#map = affine_map<(d0, d1) -> (0)>
#map1 = affine_map<(d0, d1) -> (0, 0, 0)>
module attributes {stable_mosaic.version = 14 : i64} {
  func.func @hist_kernel(%arg0: i32, %arg1: i32, %arg2: memref<204800xi32, #tpu.memory_space<hbm>>, %arg3: memref<204800xf32, #tpu.memory_space<hbm>>, %arg4: memref<32x1x100352xf32, #tpu.memory_space<hbm>>, %arg5: memref<100352xf32, #tpu.memory_space<vmem>>, %arg6: memref<6400xi32, #tpu.memory_space<vmem>>, %arg7: memref<6400xf32, #tpu.memory_space<vmem>>) attributes {dimension_semantics = [#tpu.dimension_semantics<core_parallel>, #tpu.dimension_semantics<subcore_parallel>], iteration_bounds = array<i64: 2, 16>, scalar_prefetch = 0 : i64, scratch_operands = 3 : i64, tpu.core_type = #tpu.core_type<sc_vector_subcore>, window_params = [{transform_indices = #map}, {transform_indices = #map}, {transform_indices = #map1}]} {
    %mul3A = arith.constant 2 : i32
    %mul3A_0 = arith.muli %arg1, %mul3A : i32
    %add3A = arith.addi %mul3A_0, %arg0 : i32
    %mul3A_1 = arith.constant 6400 : i32
    %mul3A_2 = arith.muli %add3A, %mul3A_1 : i32
    "tpu.region"() ({
      %run_scoped3A_17 = tpu.sem_alloc : memref<!tpu.dma_semaphore, #tpu.memory_space<semaphore_mem>>
      %dma_start3A = tpu.memref_slice %arg2[%mul3A_2] : memref<204800xi32, #tpu.memory_space<hbm>> -> memref<6400xi32, #tpu.memory_space<hbm>>
      %dma_start3A_18 = tpu.memref_slice %arg2[%mul3A_2] : memref<204800xi32, #tpu.memory_space<hbm>> -> memref<6400xi32, #tpu.memory_space<hbm>>
      tpu.enqueue_dma source(%dma_start3A_18 : memref<6400xi32, #tpu.memory_space<hbm>>) target(%arg6 : memref<6400xi32, #tpu.memory_space<vmem>>) target_semaphore(%run_scoped3A_17 : memref<!tpu.dma_semaphore, #tpu.memory_space<semaphore_mem>>)
      %dma_wait3A = tpu.memref_slice %arg2[%mul3A_2] : memref<204800xi32, #tpu.memory_space<hbm>> -> memref<6400xi32, #tpu.memory_space<hbm>>
      %dma_wait3A_19 = tpu.memref_slice %arg2[%mul3A_2] : memref<204800xi32, #tpu.memory_space<hbm>> -> memref<6400xi32, #tpu.memory_space<hbm>>
      tpu.wait_dma2 semaphore(%run_scoped3A_17 : memref<!tpu.dma_semaphore, #tpu.memory_space<semaphore_mem>>) src(%dma_wait3A_19 : memref<6400xi32, #tpu.memory_space<hbm>>) dst(%arg6 : memref<6400xi32, #tpu.memory_space<vmem>>)
      tpu.yield
    }) : () -> ()
    %mul3A_3 = arith.constant 6400 : i32
    %mul3A_4 = arith.muli %add3A, %mul3A_3 : i32
    "tpu.region"() ({
      %run_scoped3A_17 = tpu.sem_alloc : memref<!tpu.dma_semaphore, #tpu.memory_space<semaphore_mem>>
      %dma_start3A = tpu.memref_slice %arg3[%mul3A_4] : memref<204800xf32, #tpu.memory_space<hbm>> -> memref<6400xf32, #tpu.memory_space<hbm>>
      %dma_start3A_18 = tpu.memref_slice %arg3[%mul3A_4] : memref<204800xf32, #tpu.memory_space<hbm>> -> memref<6400xf32, #tpu.memory_space<hbm>>
      tpu.enqueue_dma source(%dma_start3A_18 : memref<6400xf32, #tpu.memory_space<hbm>>) target(%arg7 : memref<6400xf32, #tpu.memory_space<vmem>>) target_semaphore(%run_scoped3A_17 : memref<!tpu.dma_semaphore, #tpu.memory_space<semaphore_mem>>)
      %dma_wait3A = tpu.memref_slice %arg3[%mul3A_4] : memref<204800xf32, #tpu.memory_space<hbm>> -> memref<6400xf32, #tpu.memory_space<hbm>>
      %dma_wait3A_19 = tpu.memref_slice %arg3[%mul3A_4] : memref<204800xf32, #tpu.memory_space<hbm>> -> memref<6400xf32, #tpu.memory_space<hbm>>
      tpu.wait_dma2 semaphore(%run_scoped3A_17 : memref<!tpu.dma_semaphore, #tpu.memory_space<semaphore_mem>>) src(%dma_wait3A_19 : memref<6400xf32, #tpu.memory_space<hbm>>) dst(%arg7 : memref<6400xf32, #tpu.memory_space<vmem>>)
      tpu.yield
    }) : () -> ()
    %broadcast_in_dim3A = arith.constant 0.000000e+00 : f32
    %broadcast_in_dim3A_5 = vector.broadcast %broadcast_in_dim3A : f32 to vector<16xf32>
    %scan3A = arith.constant 0 : i32
    %scan3A_6 = arith.constant 0 : i32
    %scan3A_7 = arith.constant 784 : i32
    %scan3A_8 = arith.addi %scan3A_6, %scan3A_7 : i32
    %scan3A_9 = arith.constant 1 : i32
    scf.for %scan3A_17 = %scan3A_6 to %scan3A_8 step %scan3A_9  : i32 {
      %mul3A_18 = arith.constant 8 : i32
      %mul3A_19 = arith.muli %scan3A_17, %mul3A_18 : i32
      %add3A_20 = arith.constant 0 : i32
      %add3A_21 = arith.addi %mul3A_19, %add3A_20 : i32
      %mul3A_22 = arith.constant 16 : i32
      %mul3A_23 = arith.muli %add3A_21, %mul3A_22 : i32
      %swap3A = arith.index_cast %mul3A_23 : i32 to index
      %swap3A_24 = tpu.vector_load %arg5[%swap3A] {strides = array<i32>} : memref<100352xf32, #tpu.memory_space<vmem>>, vector<16xf32>,
      tpu.vector_store %arg5[%swap3A], %broadcast_in_dim3A_5 {strides = array<i32>} : memref<100352xf32, #tpu.memory_space<vmem>>, vector<16xf32>,
      %mul3A_25 = arith.constant 8 : i32
      %mul3A_26 = arith.muli %scan3A_17, %mul3A_25 : i32
      %add3A_27 = arith.constant 1 : i32
      %add3A_28 = arith.addi %mul3A_26, %add3A_27 : i32
      %mul3A_29 = arith.constant 16 : i32
      %mul3A_30 = arith.muli %add3A_28, %mul3A_29 : i32
      %swap3A_31 = arith.index_cast %mul3A_30 : i32 to index
      %swap3A_32 = tpu.vector_load %arg5[%swap3A_31] {strides = array<i32>} : memref<100352xf32, #tpu.memory_space<vmem>>, vector<16xf32>,
      tpu.vector_store %arg5[%swap3A_31], %broadcast_in_dim3A_5 {strides = array<i32>} : memref<100352xf32, #tpu.memory_space<vmem>>, vector<16xf32>,
      %mul3A_33 = arith.constant 8 : i32
      %mul3A_34 = arith.muli %scan3A_17, %mul3A_33 : i32
      %add3A_35 = arith.constant 2 : i32
      %add3A_36 = arith.addi %mul3A_34, %add3A_35 : i32
      %mul3A_37 = arith.constant 16 : i32
      %mul3A_38 = arith.muli %add3A_36, %mul3A_37 : i32
      %swap3A_39 = arith.index_cast %mul3A_38 : i32 to index
      %swap3A_40 = tpu.vector_load %arg5[%swap3A_39] {strides = array<i32>} : memref<100352xf32, #tpu.memory_space<vmem>>, vector<16xf32>,
      tpu.vector_store %arg5[%swap3A_39], %broadcast_in_dim3A_5 {strides = array<i32>} : memref<100352xf32, #tpu.memory_space<vmem>>, vector<16xf32>,
      %mul3A_41 = arith.constant 8 : i32
      %mul3A_42 = arith.muli %scan3A_17, %mul3A_41 : i32
      %add3A_43 = arith.constant 3 : i32
      %add3A_44 = arith.addi %mul3A_42, %add3A_43 : i32
      %mul3A_45 = arith.constant 16 : i32
      %mul3A_46 = arith.muli %add3A_44, %mul3A_45 : i32
      %swap3A_47 = arith.index_cast %mul3A_46 : i32 to index
      %swap3A_48 = tpu.vector_load %arg5[%swap3A_47] {strides = array<i32>} : memref<100352xf32, #tpu.memory_space<vmem>>, vector<16xf32>,
      tpu.vector_store %arg5[%swap3A_47], %broadcast_in_dim3A_5 {strides = array<i32>} : memref<100352xf32, #tpu.memory_space<vmem>>, vector<16xf32>,
      %mul3A_49 = arith.constant 8 : i32
      %mul3A_50 = arith.muli %scan3A_17, %mul3A_49 : i32
      %add3A_51 = arith.constant 4 : i32
      %add3A_52 = arith.addi %mul3A_50, %add3A_51 : i32
      %mul3A_53 = arith.constant 16 : i32
      %mul3A_54 = arith.muli %add3A_52, %mul3A_53 : i32
      %swap3A_55 = arith.index_cast %mul3A_54 : i32 to index
      %swap3A_56 = tpu.vector_load %arg5[%swap3A_55] {strides = array<i32>} : memref<100352xf32, #tpu.memory_space<vmem>>, vector<16xf32>,
      tpu.vector_store %arg5[%swap3A_55], %broadcast_in_dim3A_5 {strides = array<i32>} : memref<100352xf32, #tpu.memory_space<vmem>>, vector<16xf32>,
      %mul3A_57 = arith.constant 8 : i32
      %mul3A_58 = arith.muli %scan3A_17, %mul3A_57 : i32
      %add3A_59 = arith.constant 5 : i32
      %add3A_60 = arith.addi %mul3A_58, %add3A_59 : i32
      %mul3A_61 = arith.constant 16 : i32
      %mul3A_62 = arith.muli %add3A_60, %mul3A_61 : i32
      %swap3A_63 = arith.index_cast %mul3A_62 : i32 to index
      %swap3A_64 = tpu.vector_load %arg5[%swap3A_63] {strides = array<i32>} : memref<100352xf32, #tpu.memory_space<vmem>>, vector<16xf32>,
      tpu.vector_store %arg5[%swap3A_63], %broadcast_in_dim3A_5 {strides = array<i32>} : memref<100352xf32, #tpu.memory_space<vmem>>, vector<16xf32>,
      %mul3A_65 = arith.constant 8 : i32
      %mul3A_66 = arith.muli %scan3A_17, %mul3A_65 : i32
      %add3A_67 = arith.constant 6 : i32
      %add3A_68 = arith.addi %mul3A_66, %add3A_67 : i32
      %mul3A_69 = arith.constant 16 : i32
      %mul3A_70 = arith.muli %add3A_68, %mul3A_69 : i32
      %swap3A_71 = arith.index_cast %mul3A_70 : i32 to index
      %swap3A_72 = tpu.vector_load %arg5[%swap3A_71] {strides = array<i32>} : memref<100352xf32, #tpu.memory_space<vmem>>, vector<16xf32>,
      tpu.vector_store %arg5[%swap3A_71], %broadcast_in_dim3A_5 {strides = array<i32>} : memref<100352xf32, #tpu.memory_space<vmem>>, vector<16xf32>,
      %mul3A_73 = arith.constant 8 : i32
      %mul3A_74 = arith.muli %scan3A_17, %mul3A_73 : i32
      %add3A_75 = arith.constant 7 : i32
      %add3A_76 = arith.addi %mul3A_74, %add3A_75 : i32
      %mul3A_77 = arith.constant 16 : i32
      %mul3A_78 = arith.muli %add3A_76, %mul3A_77 : i32
      %swap3A_79 = arith.index_cast %mul3A_78 : i32 to index
      %swap3A_80 = tpu.vector_load %arg5[%swap3A_79] {strides = array<i32>} : memref<100352xf32, #tpu.memory_space<vmem>>, vector<16xf32>,
      tpu.vector_store %arg5[%swap3A_79], %broadcast_in_dim3A_5 {strides = array<i32>} : memref<100352xf32, #tpu.memory_space<vmem>>, vector<16xf32>,
    }
    %scan3A_10 = arith.constant 784 : i32
    %scan3A_11 = arith.constant 0 : i32
    %scan3A_12 = arith.constant 0 : i32
    %scan3A_13 = arith.constant 100 : i32
    %scan3A_14 = arith.addi %scan3A_12, %scan3A_13 : i32
    %scan3A_15 = arith.constant 1 : i32
    scf.for %scan3A_17 = %scan3A_12 to %scan3A_14 step %scan3A_15  : i32 {
      %mul3A_18 = arith.constant 4 : i32
      %mul3A_19 = arith.muli %scan3A_17, %mul3A_18 : i32
      %add3A_20 = arith.constant 0 : i32
      %add3A_21 = arith.addi %mul3A_19, %add3A_20 : i32
      %mul3A_22 = arith.constant 16 : i32
      %mul3A_23 = arith.muli %add3A_21, %mul3A_22 : i32
      %get3A = arith.index_cast %mul3A_23 : i32 to index
      %get3A_24 = tpu.vector_load %arg6[%get3A] {strides = array<i32>} : memref<6400xi32, #tpu.memory_space<vmem>>, vector<16xi32>,
      %get3A_25 = arith.index_cast %mul3A_23 : i32 to index
      %get3A_26 = tpu.vector_load %arg7[%get3A_25] {strides = array<i32>} : memref<6400xf32, #tpu.memory_space<vmem>>, vector<16xf32>,
      tpu.vector_store_idx %arg5[%get3A_24], %get3A_26 {add = true} : memref<100352xf32, #tpu.memory_space<vmem>>[vector<16xi32>], vector<16xf32>,
      %mul3A_27 = arith.constant 4 : i32
      %mul3A_28 = arith.muli %scan3A_17, %mul3A_27 : i32
      %add3A_29 = arith.constant 1 : i32
      %add3A_30 = arith.addi %mul3A_28, %add3A_29 : i32
      %mul3A_31 = arith.constant 16 : i32
      %mul3A_32 = arith.muli %add3A_30, %mul3A_31 : i32
      %get3A_33 = arith.index_cast %mul3A_32 : i32 to index
      %get3A_34 = tpu.vector_load %arg6[%get3A_33] {strides = array<i32>} : memref<6400xi32, #tpu.memory_space<vmem>>, vector<16xi32>,
      %get3A_35 = arith.index_cast %mul3A_32 : i32 to index
      %get3A_36 = tpu.vector_load %arg7[%get3A_35] {strides = array<i32>} : memref<6400xf32, #tpu.memory_space<vmem>>, vector<16xf32>,
      tpu.vector_store_idx %arg5[%get3A_34], %get3A_36 {add = true} : memref<100352xf32, #tpu.memory_space<vmem>>[vector<16xi32>], vector<16xf32>,
      %mul3A_37 = arith.constant 4 : i32
      %mul3A_38 = arith.muli %scan3A_17, %mul3A_37 : i32
      %add3A_39 = arith.constant 2 : i32
      %add3A_40 = arith.addi %mul3A_38, %add3A_39 : i32
      %mul3A_41 = arith.constant 16 : i32
      %mul3A_42 = arith.muli %add3A_40, %mul3A_41 : i32
      %get3A_43 = arith.index_cast %mul3A_42 : i32 to index
      %get3A_44 = tpu.vector_load %arg6[%get3A_43] {strides = array<i32>} : memref<6400xi32, #tpu.memory_space<vmem>>, vector<16xi32>,
      %get3A_45 = arith.index_cast %mul3A_42 : i32 to index
      %get3A_46 = tpu.vector_load %arg7[%get3A_45] {strides = array<i32>} : memref<6400xf32, #tpu.memory_space<vmem>>, vector<16xf32>,
      tpu.vector_store_idx %arg5[%get3A_44], %get3A_46 {add = true} : memref<100352xf32, #tpu.memory_space<vmem>>[vector<16xi32>], vector<16xf32>,
      %mul3A_47 = arith.constant 4 : i32
      %mul3A_48 = arith.muli %scan3A_17, %mul3A_47 : i32
      %add3A_49 = arith.constant 3 : i32
      %add3A_50 = arith.addi %mul3A_48, %add3A_49 : i32
      %mul3A_51 = arith.constant 16 : i32
      %mul3A_52 = arith.muli %add3A_50, %mul3A_51 : i32
      %get3A_53 = arith.index_cast %mul3A_52 : i32 to index
      %get3A_54 = tpu.vector_load %arg6[%get3A_53] {strides = array<i32>} : memref<6400xi32, #tpu.memory_space<vmem>>, vector<16xi32>,
      %get3A_55 = arith.index_cast %mul3A_52 : i32 to index
      %get3A_56 = tpu.vector_load %arg7[%get3A_55] {strides = array<i32>} : memref<6400xf32, #tpu.memory_space<vmem>>, vector<16xf32>,
      tpu.vector_store_idx %arg5[%get3A_54], %get3A_56 {add = true} : memref<100352xf32, #tpu.memory_space<vmem>>[vector<16xi32>], vector<16xf32>,
    }
    %scan3A_16 = arith.constant 100 : i32
    %run_scoped3A = arith.constant 0 : i32
    "tpu.region"() ({
      %run_scoped3A_17 = tpu.sem_alloc : memref<!tpu.dma_semaphore, #tpu.memory_space<semaphore_mem>>
      %dma_start3A = arith.constant 0 : i32
      %dma_start3A_18 = tpu.memref_slice %arg4[%add3A, %run_scoped3A, %dma_start3A] : memref<32x1x100352xf32, #tpu.memory_space<hbm>> -> memref<1x1x100352xf32, #tpu.memory_space<hbm>>
      %dma_start3A_19 = tpu.memref_squeeze %dma_start3A_18 : memref<1x1x100352xf32, #tpu.memory_space<hbm>> -> memref<100352xf32, #tpu.memory_space<hbm>>
      %dma_start3A_20 = arith.constant 0 : i32
      %dma_start3A_21 = tpu.memref_slice %arg4[%add3A, %run_scoped3A, %dma_start3A_20] : memref<32x1x100352xf32, #tpu.memory_space<hbm>> -> memref<1x1x100352xf32, #tpu.memory_space<hbm>>
      %dma_start3A_22 = tpu.memref_squeeze %dma_start3A_21 : memref<1x1x100352xf32, #tpu.memory_space<hbm>> -> memref<100352xf32, #tpu.memory_space<hbm>>
      tpu.enqueue_dma source(%arg5 : memref<100352xf32, #tpu.memory_space<vmem>>) target(%dma_start3A_22 : memref<100352xf32, #tpu.memory_space<hbm>>) target_semaphore(%run_scoped3A_17 : memref<!tpu.dma_semaphore, #tpu.memory_space<semaphore_mem>>)
      %dma_wait3A = arith.constant 0 : i32
      %dma_wait3A_23 = tpu.memref_slice %arg4[%add3A, %run_scoped3A, %dma_wait3A] : memref<32x1x100352xf32, #tpu.memory_space<hbm>> -> memref<1x1x100352xf32, #tpu.memory_space<hbm>>
      %dma_wait3A_24 = tpu.memref_squeeze %dma_wait3A_23 : memref<1x1x100352xf32, #tpu.memory_space<hbm>> -> memref<100352xf32, #tpu.memory_space<hbm>>
      %dma_wait3A_25 = arith.constant 0 : i32
      %dma_wait3A_26 = tpu.memref_slice %arg4[%add3A, %run_scoped3A, %dma_wait3A_25] : memref<32x1x100352xf32, #tpu.memory_space<hbm>> -> memref<1x1x100352xf32, #tpu.memory_space<hbm>>
      %dma_wait3A_27 = tpu.memref_squeeze %dma_wait3A_26 : memref<1x1x100352xf32, #tpu.memory_space<hbm>> -> memref<100352xf32, #tpu.memory_space<hbm>>
      tpu.wait_dma2 semaphore(%run_scoped3A_17 : memref<!tpu.dma_semaphore, #tpu.memory_space<semaphore_mem>>) src(%arg5 : memref<100352xf32, #tpu.memory_space<vmem>>) dst(%dma_wait3A_27 : memref<100352xf32, #tpu.memory_space<hbm>>)
      tpu.yield
    }) : () -> ()
    return
  }
}

module attributes {stable_mosaic.version = 14 : i64} {
  func.func @_stats_body(%arg0: i32, %arg1: memref<32x1x14336xf32, #tpu.memory_space<vmem>>, %arg2: memref<14336x128xf32, #tpu.memory_space<vmem>>, %arg3: memref<14336x128xf32, #tpu.memory_space<vmem>>, %arg4: memref<1x128xf32, #tpu.memory_space<vmem>>, %arg5: memref<1x128xf32, #tpu.memory_space<vmem>>, %arg6: memref<1x128xf32, #tpu.memory_space<vmem>>, %arg7: memref<1x128xf32, #tpu.memory_space<vmem>>, %arg8: memref<3x128xf32, #tpu.memory_space<vmem>>) attributes {dimension_semantics = [#tpu.dimension_semantics<arbitrary>], iteration_bounds = array<i64: 7>, scalar_prefetch = 0 : i64, scratch_operands = 1 : i64, tpu.core_type = #tpu.core_type<tc>, window_params = [{transform_indices = @transform_0, window_bounds = array<i64: 32, 1, 14336>}, {transform_indices = @transform_1, window_bounds = array<i64: 14336, 128>}, {pipeline_mode = #tpu.pipeline_mode<synchronous>, transform_indices = @transform_2, window_bounds = array<i64: 14336, 128>}, {pipeline_mode = #tpu.pipeline_mode<synchronous>, transform_indices = @transform_3, window_bounds = array<i64: 1, 128>}, {pipeline_mode = #tpu.pipeline_mode<synchronous>, transform_indices = @transform_4, window_bounds = array<i64: 1, 128>}, {pipeline_mode = #tpu.pipeline_mode<synchronous>, transform_indices = @transform_5, window_bounds = array<i64: 1, 128>}, {pipeline_mode = #tpu.pipeline_mode<synchronous>, transform_indices = @transform_6, window_bounds = array<i64: 1, 128>}]} {
    %eq3A = arith.constant 0 : i32
    %eq3A_0 = arith.cmpi eq, %arg0, %eq3A : i32
    %convert_element_type3A = arith.extui %eq3A_0 : i1 to i32
    %cond3A = arith.constant 0 : i32
    %cond3A_1 = arith.cmpi ne, %convert_element_type3A, %cond3A : i32
    scf.if %cond3A_1 {
      %broadcast_in_dim3A_16 = arith.constant 0.000000e+00 : f32
      %broadcast_in_dim3A_17 = vector.broadcast %broadcast_in_dim3A_16 : f32 to vector<3x128xf32>
      %swap3A = arith.constant 0 : index
      %swap3A_18 = arith.constant 0 : index
      %swap3A_19 = vector.load %arg8[%swap3A, %swap3A_18] : memref<3x128xf32, #tpu.memory_space<vmem>>, vector<3x128xf32>
      tpu.vector_store %arg8[%swap3A, %swap3A_18], %broadcast_in_dim3A_17 {strides = array<i32>} : memref<3x128xf32, #tpu.memory_space<vmem>>, vector<3x128xf32>,
    } else {
    }
    %get3A = arith.constant 0 : index
    %get3A_2 = arith.constant 0 : index
    %get3A_3 = arith.constant 0 : index
    %get3A_4 = vector.load %arg1[%get3A, %get3A_2, %get3A_3] : memref<32x1x14336xf32, #tpu.memory_space<vmem>>, vector<32x1x14336xf32>
    %get3A_5 = vector.shape_cast %get3A_4 : vector<32x1x14336xf32> to vector<32x14336xf32>
    %reduce_sum3A = arith.constant dense<0.000000e+00> : vector<14336xf32>
    %reduce_sum3A_6 = vector.multi_reduction <add>, %get3A_5, %reduce_sum3A [0] : vector<32x14336xf32> to vector<14336xf32>
    %broadcast_in_dim3A = vector.shape_cast %reduce_sum3A_6 : vector<14336xf32> to vector<1x14336xf32>
    %lt3A = arith.constant 6 : i32
    %lt3A_7 = arith.cmpi slt, %arg0, %lt3A : i32
    %convert_element_type3A_8 = arith.extui %lt3A_7 : i1 to i32
    %cond3A_9 = arith.constant 0 : i32
    %cond3A_10 = arith.cmpi ne, %convert_element_type3A_8, %cond3A_9 : i32
    scf.if %cond3A_10 {
      %get3A_16 = arith.constant 0 : index
      %get3A_17 = arith.constant 0 : index
      %get3A_18 = vector.load %arg2[%get3A_16, %get3A_17] : memref<14336x128xf32, #tpu.memory_space<vmem>>, vector<14336x128xf32>
      %dot_general3A = arith.constant dense<0.000000e+00> : vector<1x128xf32>
      %dot_general3A_19 = tpu.matmul %broadcast_in_dim3A, %get3A_18, %dot_general3A {dimension_numbers = #tpu.dot_dimension_numbers<[1], [0], [0], [1], [0, 0, 1, 1], [], []>, transpose_lhs_hint = false} : vector<1x14336xf32>, vector<14336x128xf32>, vector<1x128xf32> -> vector<1x128xf32>
      %mul3A = arith.mulf %get3A_18, %get3A_18 : vector<14336x128xf32>
      %dot_general3A_20 = arith.constant dense<0.000000e+00> : vector<1x128xf32>
      %dot_general3A_21 = tpu.matmul %broadcast_in_dim3A, %mul3A, %dot_general3A_20 {dimension_numbers = #tpu.dot_dimension_numbers<[1], [0], [0], [1], [0, 0, 1, 1], [], []>, transpose_lhs_hint = false} : vector<1x14336xf32>, vector<14336x128xf32>, vector<1x128xf32> -> vector<1x128xf32>
      %get3A_22 = arith.constant 0 : index
      %get3A_23 = arith.constant 0 : index
      %get3A_24 = vector.load %arg8[%get3A_22, %get3A_23] : memref<3x128xf32, #tpu.memory_space<vmem>>, vector<1x128xf32>
      %add3A = arith.addf %get3A_24, %dot_general3A_19 : vector<1x128xf32>
      %swap3A = arith.constant 0 : index
      %swap3A_25 = arith.constant 0 : index
      %swap3A_26 = vector.load %arg8[%swap3A, %swap3A_25] : memref<3x128xf32, #tpu.memory_space<vmem>>, vector<1x128xf32>
      tpu.vector_store %arg8[%swap3A, %swap3A_25], %add3A {strides = array<i32>} : memref<3x128xf32, #tpu.memory_space<vmem>>, vector<1x128xf32>,
      %get3A_27 = arith.constant 1 : index
      %get3A_28 = arith.constant 0 : index
      %get3A_29 = vector.load %arg8[%get3A_27, %get3A_28] : memref<3x128xf32, #tpu.memory_space<vmem>>, vector<1x128xf32>
      %add3A_30 = arith.addf %get3A_29, %dot_general3A_21 : vector<1x128xf32>
      %swap3A_31 = arith.constant 1 : index
      %swap3A_32 = arith.constant 0 : index
      %swap3A_33 = vector.load %arg8[%swap3A_31, %swap3A_32] : memref<3x128xf32, #tpu.memory_space<vmem>>, vector<1x128xf32>
      tpu.vector_store %arg8[%swap3A_31, %swap3A_32], %add3A_30 {strides = array<i32>} : memref<3x128xf32, #tpu.memory_space<vmem>>, vector<1x128xf32>,
      %get3A_34 = arith.constant 2 : index
      %get3A_35 = arith.constant 0 : index
      %get3A_36 = vector.load %arg8[%get3A_34, %get3A_35] : memref<3x128xf32, #tpu.memory_space<vmem>>, vector<1x128xf32>
      %reduce_sum3A_37 = vector.shape_cast %broadcast_in_dim3A : vector<1x14336xf32> to vector<1x1x14336xf32>
      %reduce_sum3A_38 = arith.constant dense<0.000000e+00> : vector<1xf32>
      %reduce_sum3A_39 = vector.multi_reduction <add>, %reduce_sum3A_37, %reduce_sum3A_38 [1, 2] : vector<1x1x14336xf32> to vector<1xf32>
      %reduce_sum3A_40 = vector.shape_cast %reduce_sum3A_39 : vector<1xf32> to vector<1x1x1xf32>
      %reduce_sum3A_41 = vector.extract %reduce_sum3A_40[0, 0, 0] : f32 from vector<1x1x1xf32>
      %broadcast_in_dim3A_42 = vector.broadcast %reduce_sum3A_41 : f32 to vector<1x128xf32>
      %add3A_43 = arith.addf %get3A_36, %broadcast_in_dim3A_42 : vector<1x128xf32>
      %swap3A_44 = arith.constant 2 : index
      %swap3A_45 = arith.constant 0 : index
      %swap3A_46 = vector.load %arg8[%swap3A_44, %swap3A_45] : memref<3x128xf32, #tpu.memory_space<vmem>>, vector<1x128xf32>
      tpu.vector_store %arg8[%swap3A_44, %swap3A_45], %add3A_43 {strides = array<i32>} : memref<3x128xf32, #tpu.memory_space<vmem>>, vector<1x128xf32>,
    } else {
    }
    %eq3A_11 = arith.constant 6 : i32
    %eq3A_12 = arith.cmpi eq, %arg0, %eq3A_11 : i32
    %convert_element_type3A_13 = arith.extui %eq3A_12 : i1 to i32
    %cond3A_14 = arith.constant 0 : i32
    %cond3A_15 = arith.cmpi ne, %convert_element_type3A_13, %cond3A_14 : i32
    scf.if %cond3A_15 {
      %get3A_16 = arith.constant 0 : index
      %get3A_17 = arith.constant 0 : index
      %get3A_18 = vector.load %arg3[%get3A_16, %get3A_17] : memref<14336x128xf32, #tpu.memory_space<vmem>>, vector<14336x128xf32>
      %dot_general3A = arith.constant dense<0.000000e+00> : vector<1x128xf32>
      %dot_general3A_19 = tpu.matmul %broadcast_in_dim3A, %get3A_18, %dot_general3A {dimension_numbers = #tpu.dot_dimension_numbers<[1], [0], [0], [1], [0, 0, 1, 1], [], []>, transpose_lhs_hint = false} : vector<1x14336xf32>, vector<14336x128xf32>, vector<1x128xf32> -> vector<1x128xf32>
      %mul3A = arith.mulf %get3A_18, %get3A_18 : vector<14336x128xf32>
      %dot_general3A_20 = arith.constant dense<0.000000e+00> : vector<1x128xf32>
      %dot_general3A_21 = tpu.matmul %broadcast_in_dim3A, %mul3A, %dot_general3A_20 {dimension_numbers = #tpu.dot_dimension_numbers<[1], [0], [0], [1], [0, 0, 1, 1], [], []>, transpose_lhs_hint = false} : vector<1x14336xf32>, vector<14336x128xf32>, vector<1x128xf32> -> vector<1x128xf32>
      %get3A_22 = arith.constant 0 : index
      %get3A_23 = arith.constant 0 : index
      %get3A_24 = vector.load %arg8[%get3A_22, %get3A_23] : memref<3x128xf32, #tpu.memory_space<vmem>>, vector<1x128xf32>
      %add3A = arith.addf %get3A_24, %dot_general3A_19 : vector<1x128xf32>
      %swap3A = arith.constant 0 : index
      %swap3A_25 = arith.constant 0 : index
      %swap3A_26 = vector.load %arg8[%swap3A, %swap3A_25] : memref<3x128xf32, #tpu.memory_space<vmem>>, vector<1x128xf32>
      tpu.vector_store %arg8[%swap3A, %swap3A_25], %add3A {strides = array<i32>} : memref<3x128xf32, #tpu.memory_space<vmem>>, vector<1x128xf32>,
      %get3A_27 = arith.constant 1 : index
      %get3A_28 = arith.constant 0 : index
      %get3A_29 = vector.load %arg8[%get3A_27, %get3A_28] : memref<3x128xf32, #tpu.memory_space<vmem>>, vector<1x128xf32>
      %add3A_30 = arith.addf %get3A_29, %dot_general3A_21 : vector<1x128xf32>
      %swap3A_31 = arith.constant 1 : index
      %swap3A_32 = arith.constant 0 : index
      %swap3A_33 = vector.load %arg8[%swap3A_31, %swap3A_32] : memref<3x128xf32, #tpu.memory_space<vmem>>, vector<1x128xf32>
      tpu.vector_store %arg8[%swap3A_31, %swap3A_32], %add3A_30 {strides = array<i32>} : memref<3x128xf32, #tpu.memory_space<vmem>>, vector<1x128xf32>,
      %get3A_34 = arith.constant 2 : index
      %get3A_35 = arith.constant 0 : index
      %get3A_36 = vector.load %arg8[%get3A_34, %get3A_35] : memref<3x128xf32, #tpu.memory_space<vmem>>, vector<1x128xf32>
      %reduce_sum3A_37 = vector.shape_cast %broadcast_in_dim3A : vector<1x14336xf32> to vector<1x1x14336xf32>
      %reduce_sum3A_38 = arith.constant dense<0.000000e+00> : vector<1xf32>
      %reduce_sum3A_39 = vector.multi_reduction <add>, %reduce_sum3A_37, %reduce_sum3A_38 [1, 2] : vector<1x1x14336xf32> to vector<1xf32>
      %reduce_sum3A_40 = vector.shape_cast %reduce_sum3A_39 : vector<1xf32> to vector<1x1x1xf32>
      %reduce_sum3A_41 = vector.extract %reduce_sum3A_40[0, 0, 0] : f32 from vector<1x1x1xf32>
      %broadcast_in_dim3A_42 = vector.broadcast %reduce_sum3A_41 : f32 to vector<1x128xf32>
      %add3A_43 = arith.addf %get3A_36, %broadcast_in_dim3A_42 : vector<1x128xf32>
      %swap3A_44 = arith.constant 2 : index
      %swap3A_45 = arith.constant 0 : index
      %swap3A_46 = vector.load %arg8[%swap3A_44, %swap3A_45] : memref<3x128xf32, #tpu.memory_space<vmem>>, vector<1x128xf32>
      tpu.vector_store %arg8[%swap3A_44, %swap3A_45], %add3A_43 {strides = array<i32>} : memref<3x128xf32, #tpu.memory_space<vmem>>, vector<1x128xf32>,
      %get3A_47 = arith.constant 2 : index
      %get3A_48 = arith.constant 0 : index
      %get3A_49 = vector.load %arg8[%get3A_47, %get3A_48] : memref<3x128xf32, #tpu.memory_space<vmem>>, vector<1x128xf32>
      %max3A = arith.constant 1.000000e+00 : f32
      %max3A_50 = vector.broadcast %max3A : f32 to vector<1x128xf32>
      %max3A_51 = arith.maximumf %get3A_49, %max3A_50 : vector<1x128xf32>
      %get3A_52 = arith.constant 0 : index
      %get3A_53 = arith.constant 0 : index
      %get3A_54 = vector.load %arg8[%get3A_52, %get3A_53] : memref<3x128xf32, #tpu.memory_space<vmem>>, vector<1x128xf32>
      %div3A = arith.divf %get3A_54, %max3A_51 : vector<1x128xf32>
      %get3A_55 = arith.constant 1 : index
      %get3A_56 = arith.constant 0 : index
      %get3A_57 = vector.load %arg8[%get3A_55, %get3A_56] : memref<3x128xf32, #tpu.memory_space<vmem>>, vector<1x128xf32>
      %div3A_58 = arith.divf %get3A_57, %max3A_51 : vector<1x128xf32>
      %mul3A_59 = arith.mulf %div3A, %div3A : vector<1x128xf32>
      %sub3A = arith.subf %div3A_58, %mul3A_59 : vector<1x128xf32>
      %max3A_60 = arith.constant 0.000000e+00 : f32
      %max3A_61 = vector.broadcast %max3A_60 : f32 to vector<1x128xf32>
      %max3A_62 = arith.maximumf %sub3A, %max3A_61 : vector<1x128xf32>
      %get3A_63 = arith.constant 0 : index
      %get3A_64 = arith.constant 0 : index
      %get3A_65 = vector.load %arg4[%get3A_63, %get3A_64] : memref<1x128xf32, #tpu.memory_space<vmem>>, vector<1x128xf32>
      %add3A_66 = arith.constant 9.99999974E-6 : f32
      %add3A_67 = vector.broadcast %add3A_66 : f32 to vector<1x128xf32>
      %add3A_68 = arith.addf %max3A_62, %add3A_67 : vector<1x128xf32>
      %sqrt3A = math.sqrt %add3A_68 : vector<1x128xf32>
      %div3A_69 = arith.divf %get3A_65, %sqrt3A : vector<1x128xf32>
      %swap3A_70 = arith.constant 0 : index
      %swap3A_71 = arith.constant 0 : index
      %swap3A_72 = vector.load %arg6[%swap3A_70, %swap3A_71] : memref<1x128xf32, #tpu.memory_space<vmem>>, vector<1x128xf32>
      tpu.vector_store %arg6[%swap3A_70, %swap3A_71], %div3A_69 {strides = array<i32>} : memref<1x128xf32, #tpu.memory_space<vmem>>, vector<1x128xf32>,
      %get3A_73 = arith.constant 0 : index
      %get3A_74 = arith.constant 0 : index
      %get3A_75 = vector.load %arg5[%get3A_73, %get3A_74] : memref<1x128xf32, #tpu.memory_space<vmem>>, vector<1x128xf32>
      %mul3A_76 = arith.mulf %div3A, %div3A_69 : vector<1x128xf32>
      %sub3A_77 = arith.subf %get3A_75, %mul3A_76 : vector<1x128xf32>
      %swap3A_78 = arith.constant 0 : index
      %swap3A_79 = arith.constant 0 : index
      %swap3A_80 = vector.load %arg7[%swap3A_78, %swap3A_79] : memref<1x128xf32, #tpu.memory_space<vmem>>, vector<1x128xf32>
      tpu.vector_store %arg7[%swap3A_78, %swap3A_79], %sub3A_77 {strides = array<i32>} : memref<1x128xf32, #tpu.memory_space<vmem>>, vector<1x128xf32>,
    } else {
    }
    return
  }
  func.func @transform_0(%arg0: i32) -> (i32, i32, i32) {
    %c0_i32 = arith.constant 0 : i32
    %c0_i32_0 = arith.constant 0 : i32
    %c0_i32_1 = arith.constant 0 : i32
    return %c0_i32, %c0_i32_0, %arg0 : i32, i32, i32
  }
  func.func @transform_1(%arg0: i32) -> (i32, i32) {
    %min3A = arith.constant 5 : i32
    %min3A_0 = arith.minsi %arg0, %min3A : i32
    %c0_i32 = arith.constant 0 : i32
    %c0_i32_1 = arith.constant 0 : i32
    return %min3A_0, %c0_i32 : i32, i32
  }
  func.func @transform_2(%arg0: i32) -> (i32, i32) {
    %c0_i32 = arith.constant 0 : i32
    %c0_i32_0 = arith.constant 0 : i32
    %c0_i32_1 = arith.constant 0 : i32
    return %c0_i32, %c0_i32_0 : i32, i32
  }
  func.func @transform_3(%arg0: i32) -> (i32, i32) {
    %c0_i32 = arith.constant 0 : i32
    %c0_i32_0 = arith.constant 0 : i32
    %c0_i32_1 = arith.constant 0 : i32
    return %c0_i32, %c0_i32_0 : i32, i32
  }
  func.func @transform_4(%arg0: i32) -> (i32, i32) {
    %c0_i32 = arith.constant 0 : i32
    %c0_i32_0 = arith.constant 0 : i32
    %c0_i32_1 = arith.constant 0 : i32
    return %c0_i32, %c0_i32_0 : i32, i32
  }
  func.func @transform_5(%arg0: i32) -> (i32, i32) {
    %c0_i32 = arith.constant 0 : i32
    %c0_i32_0 = arith.constant 0 : i32
    %c0_i32_1 = arith.constant 0 : i32
    return %c0_i32, %c0_i32_0 : i32, i32
  }
  func.func @transform_6(%arg0: i32) -> (i32, i32) {
    %c0_i32 = arith.constant 0 : i32
    %c0_i32_0 = arith.constant 0 : i32
    %c0_i32_1 = arith.constant 0 : i32
    return %c0_i32, %c0_i32_0 : i32, i32
  }
}

</mosaic_0001>

<sc_bundles>
// kernel: kernel.5.cloned.1.call-start
scs
__scs_entry_jumppad:
0x0: {  	(pc) =	sbr.rel $0x88, $3  }
0x1: {  	(tag) =	ssettag $0x0;
	lr =	simm.s32 $0x1  }
0x2: {  	[smem:$0x3F9C] =	sst lr;
	_ =	strace $0xD0000000  }
0x3: {  	_ = 	snop  }
0x4: {  	_ = 	snop  }
0x5: {  	_ = 	snop  }
0x6: {  	_ = 	snop  }
0x7: {  	_ = 	snop  }
__scs_overlays_trampoline_lowered:
0x8: {  	[smem:$0x3FAB] =	sst s0  }
0x9: {  	[smem:$0x3FAC] =	sst s1  }
0xa: {  	[smem:$0x3FAD] =	sst s2  }
0xb: {  	[smem:$0x3FAE] =	sst s3  }
0xc: {  	[smem:$0x3FAF] =	sst s4  }
0xd: {  	[smem:$0x3FB0] =	sst s5  }
0xe: {  	[smem:$0x3FB1] =	sst s6  }
0xf: {  	[smem:$0x3FB2] =	sst s7  }
0x10: {  	[smem:$0x3FB3] =	sst s8  }
0x11: {  	[smem:$0x3FB4] =	sst s9;
	s0 =	simm.s32 @!p0 $0x0  }
0x12: {  	s1 =	sld [smem:$0x3F9A];
	s0 =	simm.s32 @p0 $0x1  }
0x13: {  	[smem:$0x3FB5] =	sst s0;
	s0 =	simm.s32 @!p1 $0x0  }
0x14: {  	s2 =	sld [smem:$0x3F99];
	s0 =	simm.s32 @p1 $0x1  }
0x15: {  	[smem:$0x3FB6] =	sst s0;
	s0 =	simm.s32 @!p2 $0x0  }
0x16: {  	s3 =	sld [smem:$0x3FDB];
	s0 =	simm.s32 @p2 $0x1  }
0x17: {  	s4 =	simm.s32 $0x1BF5;
	[smem:$0x3FB8] =	sst s0  }
0x18: {  	s0 =	sld [smem:$0x3F9B];
	_ =	swait.ge [sflag:s4], $0x0  }
0x19: {  	s7 =	sld [smem:$0x3F9C]  }
0x1a: {  	s8 =	sadd.s32 $0xFFFFE003, lr  }
0x1b: {  	s9 =	sadd.s32 $0xFFFFFEF7, lr;
	s5 =	simm.s32 $0xFFFFFFFF;
	p2 =	slt.u32 s8, $0xFFFFF086  }
0x1c: {  	p1 =	slt.u32 s9, $0xF7A;
	s5 =	simm.s32 @!p2 $0x0  }
0x1d: {  	s5 =	simm.s32 @p1 $0x1;
	p0 =	seq.s32 s7, s2  }
0x1e: {  	s7 =	smul.u32 @!p0 $0xF7A, s2;
	p2 =	seq.s32 @!p0 s5, $0x0  }
0x1f: {  	s9 =	smul.u32 $0xF7A, s1;
	s8 =	simm.s32 @!p0 $0x1BF5;
	p2 =	por !p2, p0  }
0x20: {  	[sflag:s8] =	ssyncset.s32 @!p0 $0xFFFFF086;
	s6 =	sadd.s32 @!p0 s3, s7;
	s7 =	simm.s32 @!p0 $0x108  }
0x21: {  	s3 =	sadd.s32 s3, s9;
	s6 =	sadd.s32 @!p0 $0x88, s6;
	s7 =	simm.s32 @p2 $0x1082  }
0x22: {  	[simem:s7], [sflag:s8] =	dma.local @!p0 [hbm:s6], $0xF7A  }
0x23: {  	s9 =	sor.u32 $0xD0000000, s2;
	s6 =	simm.s32 $0x108;
	_ =	swait.ge @!p0 [sflag:s8], $0x0  }
0x24: {  	s3 =	sadd.s32 $0x88, s3;
	s6 =	simm.s32 @!p1 $0x1082;
	[sflag:s4] =	ssyncset.s32 $0xFFFFF086  }
0x25: {  	[simem:s6], [sflag:s4] =	dma.local [hbm:s3], $0xF7A  }
0x26: {  	[smem:$0x3F9C] =	sst s1;
	(tag) =	ssettag s2;
	_ =	strace s9  }
0x27: {  	s1 =	sld [smem:$0x3FAC]  }
0x28: {  	s2 =	sld [smem:$0x3FAD]  }
0x29: {  	s4 =	sld [smem:$0x3FAF]  }
0x2a: {  	p0 =	seq.s32 s5, $0x0;
	s5 =	sld [smem:$0x3FB0]  }
0x2b: {  	s6 =	sld [smem:$0x3FB1]  }
0x2c: {  	s7 =	sld [smem:$0x3FB2]  }
0x2d: {  	s3 =	simm.s32 $0x108;
	s8 =	sld [smem:$0x3FB3]  }
0x2e: {  	s3 =	simm.s32 @!p0 $0x1082;
	s9 =	sld [smem:$0x3FB4]  }
0x2f: {  	lr =	sadd.s32 s0, s3;
	s0 =	sld [smem:$0x3FAB]  }
0x30: {  	s3 =	sld [smem:$0x3FAE]  }
0x31: {  	[smem:$0x3FB7] =	sst s10  }
0x32: {  	s10 =	sld [smem:$0x3FB5];
	_ =	sdelay $0x3  }
0x33: {  	p0 =	seq.s32 s10, $0x1;
	s10 =	sld [smem:$0x3FB7];
	_ =	sdelay $0x3  }
0x34: {  	[smem:$0x3FB7] =	sst s10  }
0x35: {  	s10 =	sld [smem:$0x3FB6];
	_ =	sdelay $0x3  }
0x36: {  	p1 =	seq.s32 s10, $0x1;
	s10 =	sld [smem:$0x3FB7];
	_ =	sdelay $0x3  }
0x37: {  	[smem:$0x3FB7] =	sst s10  }
0x38: {  	s10 =	sld [smem:$0x3FB8]  }
0x39: {  	_ = 	snop;
	(pc) =	sbr.ind lr, $3  }
0x3a: {  	_ = 	snop  }
0x3b: {  	_ = 	snop  }
0x3c: {  	p2 =	seq.s32 s10, $0x1;
	s10 =	sld [smem:$0x3FB7]  }
0x3d: {  	_ =	shalt  }
0x3e: {  	_ =	shalt  }
0x3f: {  	_ =	shalt  }
0x40: {  	_ =	shalt  }
0x41: {  	_ =	shalt  }
0x42: {  	_ =	shalt  }
0x43: {  	_ =	shalt  }
0x44: {  	_ =	shalt  }
0x45: {  	_ =	shalt  }
0x46: {  	_ =	shalt  }
0x47: {  	_ =	shalt  }
0x48: {  	_ =	shalt  }
0x49: {  	_ =	shalt  }
0x4a: {  	_ =	shalt  }
0x4b: {  	_ =	shalt  }
0x4c: {  	_ =	shalt  }
0x4d: {  	_ =	shalt  }
0x4e: {  	_ =	shalt  }
0x4f: {  	_ =	shalt  }
0x50: {  	_ =	shalt  }
0x51: {  	_ =	shalt  }
0x52: {  	_ =	shalt  }
0x53: {  	_ =	shalt  }
0x54: {  	_ =	shalt  }
0x55: {  	_ =	shalt  }
0x56: {  	_ =	shalt  }
0x57: {  	_ =	shalt  }
0x58: {  	_ =	shalt  }
0x59: {  	_ =	shalt  }
0x5a: {  	_ =	shalt  }
0x5b: {  	_ =	shalt  }
0x5c: {  	_ =	shalt  }
0x5d: {  	_ =	shalt  }
0x5e: {  	_ =	shalt  }
0x5f: {  	_ =	shalt  }
0x60: {  	_ =	shalt  }
0x61: {  	_ =	shalt  }
0x62: {  	_ =	shalt  }
0x63: {  	_ =	shalt  }
0x64: {  	_ =	shalt  }
0x65: {  	_ =	shalt  }
0x66: {  	_ =	shalt  }
0x67: {  	_ =	shalt  }
0x68: {  	_ =	shalt  }
0x69: {  	_ =	shalt  }
0x6a: {  	_ =	shalt  }
0x6b: {  	_ =	shalt  }
0x6c: {  	_ =	shalt  }
0x6d: {  	_ =	shalt  }
0x6e: {  	_ =	shalt  }
0x6f: {  	_ =	shalt  }
0x70: {  	_ =	shalt  }
0x71: {  	_ =	shalt  }
0x72: {  	_ =	shalt  }
0x73: {  	_ =	shalt  }
0x74: {  	_ =	shalt  }
0x75: {  	_ =	shalt  }
0x76: {  	_ =	shalt  }
0x77: {  	_ =	shalt  }
0x78: {  	_ =	shalt  }
0x79: {  	_ =	shalt  }
0x7a: {  	_ =	shalt  }
0x7b: {  	_ =	shalt  }
0x7c: {  	_ =	shalt  }
0x7d: {  	_ =	shalt  }
0x7e: {  	_ =	shalt  }
0x7f: {  	_ =	shalt  }
0x80: {  	_ =	shalt  }
0x81: {  	_ =	shalt  }
0x82: {  	_ =	shalt  }
0x83: {  	_ =	shalt  }
0x84: {  	_ =	shalt  }
0x85: {  	_ =	shalt  }
0x86: {  	_ =	shalt  }
0x87: {  	_ =	shalt  }
.Lfunc_end0:
.L_simem_size_0:
called_computation_lowered:
.L_overlay_start_0:
0x88: {  	s2 =	sld [smem:$0x3FD9]  }
0x89: {  	s3 =	sld [smem:$0x3FFE];
	_ =	sdelay $0x1  }
0x8a: {  	s1 =	srdreg.scid  }
0x8b: {  	s0 =	sand.u32 $0x1, s1  }
0x8c: {  	s17 =	sshll.u32 s0, $0xA;
	s2 =	sadd.s32 s3, s2  }
0x8d: {  	s2 =	sadd.s32 s2, s17  }
0x8e: {  	[smem:$0x3FC3] =	sst s2  }
0x8f: {  	_ = 	snop  }
0x90: {  	s2 =	sld [smem:$0x3FD0];
	(tm) =	ssettm $0x1  }
0x91: {  	s18 =	sld [smem:$0x3FFB];
	_ =	sdelay $0x3  }
0x92: {  	_ =	strace s18  }
0x93: {  	s3 =	sld [smem:$0x3FFC];
	_ =	sdelay $0x3  }
0x94: {  	_ =	strace s3  }
0x95: {  	s3 =	sld [smem:$0x3FFD];
	_ =	sdelay $0x3  }
0x96: {  	_ =	strace s3  }
0x97: {  	_ =	strace $0x8FFFFFFF  }
0x98: {  	s19 =	sld [smem:$0x3FDB];
	_ =	sdelay $0x1  }
0x99: {  	s4 =	simm.s32 $_scs_section_size  }
0x9a: {  	s5 =	simm.s32 $_size__tile_overlayer_lowered;
	s6 =	simm.s32 $_tile_overlayer_lowered  }
0x9b: {  	s22 =	simm.s32 $0x1BFF;
	s21 =	sshll.u32 s6, $0x1;
	s3 =	sadd.s32 s4, s19  }
0x9c: {  	s7 =	simm.s32 $0x0;
	s20 =	sshll.u32 s5, $0x1;
	s5 =	sadd.s32 s21, s3  }
0x9d: {  	[timem:s7], [sflag:s22] =	dma.local [hbm:s5], s20  }
0x9e: {  	_ =	swait.ge [sflag:s22], s20  }
0x9f: {  	s4 =	ssub.s32 $0x0, s20;
	[sflag:s22] =	ssyncset.done $0x0  }
0xa0: {  	[sflag:s22] =	ssyncadd.s32 s4;
	_ =	sdelay $0x1  }
0xa1: {  	s23 =	simm.s32 $0x1B8B  }
0xa2: {  	_ =	swait.ge [sflag:s23], $0x1  }
0xa3: {  	[sflag:s23] =	ssyncset.done $0x0  }
0xa4: {  	s25 =	simm.s32 $0x1B8E;
	s24 =	sld [smem:$0x3FFE];
	[sflag:s23] =	ssyncadd.s32 $0xFFFFFFFF  }
0xa5: {  	s26 =	simm.s32 $execute0_lowered;
	[smem:$0x3FD2] =	sst s25  }
0xa6: {  	s5 =	sshll.u32 s26, $0x1;
	_ =	strace $0x80000046;
	[dreg:$0x1] =	wrdreg $0xFFFFFFFF  }
0xa7: {  	s28 =	simm.s32 $_size_execute0_lowered;
	s3 =	sadd.s32 s3, s5;
	[dreg:$0x0] =	wrdreg $0x0  }
0xa8: {  	s5 =	sshll.u32 s28, $0x1;
	[dreg:$0x2] =	wrdreg s3  }
0xa9: {  	[dreg:$0x3] =	wrdreg s5  }
0xaa: {  	[dreg:$0x4] =	wrdreg $0xC0  }
0xab: {  	_ =	task [dreg:s7], $0x5FFFF  }
0xac: {  	[dreg:$0x1] =	wrdreg $0xFFFFFFFF  }
0xad: {  	[dreg:$0x0] =	wrdreg $0x60  }
0xae: {  	[dreg:$0x2] =	wrdreg s24  }
0xaf: {  	[dreg:$0x3] =	wrdreg s2  }
0xb0: {  	[dreg:$0x4] =	wrdreg $0x9  }
0xb1: {  	_ =	task.clear_ibuf [dreg:s7], $0x5FFFF;
	_ =	strace $0x90000046  }
0xb2: {  	s29 =	simm.s32 $0x9;
	_ =	strace $0x80000048  }
0xb3: {  	_ =	swait.ge [sflag:s29], $0x1  }
0xb4: {  	[sflag:s29] =	ssyncadd.s32 $0xFFFFFFFF  }
0xb5: {  	_ =	strace $0x90000048  }
0xb6: {  	_ =	sfence  }
0xb7: {  	s30 =	sld [smem:$0x0];
	_ =	sdelay $0x2  }
0xb8: {  	s31 =	sshll.u32 s1, $0xD;
	s1 =	sshrl.u32 s1, $0x2  }
0xb9: {  	s3 =	sand.u32 $0x4000, s31;
	s1 =	sadd.s32 s1, s30  }
0xba: {  	s0 =	sor.u32 s3, s0;
	s1 =	sshll.u32 s1, $0x11  }
0xbb: {  	s0 =	sor.u32 s1, s0  }
0xbc: {  	s0 =	sadd.s32 $0x8F2B, s0  }
0xbd: {  	[sflag:s0] =	ssyncadd.remote.s32 $0x1  }
0xbe: {  	_ =	sfence.sel $0xFFFF  }
0xbf: {  	[dreg:$0x0] =	wrdreg $0xFFFFFFFF;
	(pc) =	sbr.abs _section_cstart, $3  }
0xc0: {  	[dreg:$0x1] =	wrdreg $0xFFFFFFFF  }
0xc1: {  	_ =	task.clear_ibuf [dreg:s7], $0x2FFFF;
	_ =	strace $0x9FFFFFFF  }
0xc2: {  	(tm) =	ssettm $0x7FFFFFFF  }
0xc3: {  	_ =	shalt  }
tec
execute0_lowered:
.L_overlay_start_1:
0x0: {  	(tag) =	ssettag $0x1  }
0x1: {  	s3 =	rddreg [dreg:$0x0];
	s1 =	srdreg.scid  }
0x2: {  	s0 =	stileid.u32;
	s5 =	rddreg [dreg:$0x1]  }
0x3: {  	s2 =	simm.s32 $0x0;
	s4 =	sand.u32 $0x1, s1;
	s6 =	sshll.u32 s0, $0x1  }
0x4: {  	s9 =	simm.s32 $0x1A100;
	s10 =	simm.s32 $0x0;
	s6 =	sor.u32 s4, s6  }
0x5: {  	s1 =	rddreg [dreg:$0x2];
	s4 =	ssub.s32 $0x2, s4;
	s7 =	smul.u32 $0x320, s6  }
0x6: {  	[smem:$0x7FF] =	sst s2;
	s31 =	sshrl.u32 s4, $0x1;
	s6 =	smul.u32 $0x3100, s6  }
0x7: {  	_ =	strace $0x80000047;
	s8 =	ssub.s32 s4, s31;
	s7 =	sadd.s32 s7, s3  }
0x8: {  	s5 =	sadd.s32 s5, s6;
	s6 =	smax.u32 s8, $0x1;
	s8 =	simm.s32 $0x1  }
0x9: {  	v0 =	vimm.f32 $0.0e+00;
	s3 =	sadd.s32 $0x7C00, s7;
	s4 =	sadd.s32 $0x1800, s7;
	s7 =	simm.s32 $0x18800  }
.LBB2_1:
0xa: {  	[tilespmem:s7], [sflag:$0x1] =	stream.linear.gather [hbm4b:s3+s2], $0x1900, $0x38;
	[tilespmem:$0x1BA00] =	vst v63  }
0xb: {  	_ =	swait.ge [sflag:s8], $0x1900  }
0xc: {  	[sflag:s8] =	ssyncset.done $0x0  }
0xd: {  	[sflag:s8] =	ssyncadd.s32 $0xFFFFE700  }
0xe: {  	[tilespmem:s9], [sflag:$0x1] =	stream.linear.gather [hbm4b:s4+s2], $0x1900, $0x38;
	[tilespmem:$0x1BA00] =	vst v63  }
0xf: {  	_ =	swait.ge [sflag:s8], $0x1900  }
0x10: {  	[sflag:s8] =	ssyncset.done $0x0  }
0x11: {  	s11 =	simm.s32 $0x0;
	s12 =	simm.s32 $0x200;
	[sflag:s8] =	ssyncadd.s32 $0xFFFFE700  }
.LBB2_2:
0x12: {  	p0 =	sne.s32 s12, $0x61E00;
	[tilespmem:s11+$0x70] =	vst v0  }
0x13: {  	[tilespmem:s11+$0x0] =	vst v0  }
0x14: {  	[tilespmem:s11+$0x10] =	vst v0  }
.Ltmp0:
0x15: {  	[tilespmem:s11+$0x20] =	vst v0;
	(pc) =	sbr.rel @p0 .LBB2_2-.Ltmp0, $4  }
0x16: {  	[tilespmem:s11+$0x30] =	vst v0  }
0x17: {  	[tilespmem:s11+$0x40] =	vst v0  }
0x18: {  	[tilespmem:s11+$0x50] =	vst v0  }
0x19: {  	[tilespmem:s11+$0x60] =	vst v0;
	s11 =	sshra.s32 s12, $0x2;
	s12 =	sadd.s32 $0x200, s12  }
0x1a: {  	[tilespmem:s11+$0x70] =	vst v0  }
0x1b: {  	[tilespmem:s11+$0x0] =	vst v0  }
0x1c: {  	[tilespmem:s11+$0x10] =	vst v0  }
0x1d: {  	[tilespmem:s11+$0x20] =	vst v0  }
0x1e: {  	[tilespmem:s11+$0x30] =	vst v0  }
0x1f: {  	[tilespmem:s11+$0x40] =	vst v0  }
0x20: {  	[tilespmem:s11+$0x50] =	vst v0  }
0x21: {  	[tilespmem:s11+$0x60] =	vst v0;
	s11 =	simm.s32 $0x0  }
.LBB2_4:
0x22: {  	s12 =	sshra.s32 s11, $0x2  }
0x23: {  	v1 =	vld [tilespmem:s12+$0x18800];
	_ =	sdelay $0x2  }
0x24: {  	v2 =	vld [tilespmem:s12+$0x1A100];
	_ =	sdelay $0x4  }
0x25: {  	[tilespmem:v1+s2+$0x0] =	vst.idx.add.f32.msk $0xffff, v2  }
0x26: {  	v1 =	vld [tilespmem:s12+$0x18810];
	_ =	sdelay $0x2  }
0x27: {  	v2 =	vld [tilespmem:s12+$0x1A110];
	_ =	sdelay $0x4  }
0x28: {  	[tilespmem:v1+s2+$0x0] =	vst.idx.add.f32.msk $0xffff, v2  }
0x29: {  	v1 =	vld [tilespmem:s12+$0x18820];
	_ =	sdelay $0x2  }
0x2a: {  	v2 =	vld [tilespmem:s12+$0x1A120];
	_ =	sdelay $0x4  }
0x2b: {  	[tilespmem:v1+s2+$0x0] =	vst.idx.add.f32.msk $0xffff, v2  }
0x2c: {  	v1 =	vld [tilespmem:s12+$0x18830];
	_ =	sdelay $0x2  }
0x2d: {  	p0 =	sne.s32 s11, $0x6300;
	v2 =	vld [tilespmem:s12+$0x1A130]  }
.Ltmp1:
0x2e: {  	_ = 	snop;
	(pc) =	sbr.rel @p0 .LBB2_4-.Ltmp1, $2  }
0x2f: {  	_ =	sdelay $0x2  }
0x30: {  	s11 =	sadd.s32 $0x100, s11;
	[tilespmem:v1+s2+$0x0] =	vst.idx.add.f32.msk $0xffff, v2  }
0x31: {  	s10 =	sadd.s32 $0x1, s10  }
0x32: {  	p0 =	sne.s32 s10, s6  }
.Ltmp2:
0x33: {  	_ = 	snop;
	(pc) =	sbr.rel @p0 .LBB2_1-.Ltmp2, $4  }
0x34: {  	[hbm4b:s5+s2] =	stream.linear.scatter [tilespmem:s2], [sflag:$0x1], $0x18800, $0x38;
	[tilespmem:$0x1BA00] =	vst v63  }
0x35: {  	_ =	swait.ge [sflag:s8], $0x18800  }
0x36: {  	[sflag:s8] =	ssyncset.done $0x0  }
0x37: {  	[sflag:s8] =	ssyncadd.s32 $0xFFFE7800  }
0x38: {  	_ =	sfence.sel $0x180000  }
0x39: {  	[bflag:$0x0] =	sbarrier.arrive $0xFFFF  }
0x3a: {  	p0 =	sne.s32 s0, $0x0;
	_ =	strace $0x90000047  }
0x3b: {  	s0 =	sadd.s32 @!p0 $0x100000, s1;
	[bflag:$0x2] =	sbarrier.arrive $0xFFFF  }
0x3c: {  	[sflag:s0] =	ssyncadd.tile.s32 @!p0 $0x1;
	_ =	shalt  }
.Lfunc_end2:
_tile_overlayer_lowered:
.L_overlay_start_2:
0x3d: {  	(tag) =	ssettag $0x2  }
0x3e: {  	s0 =	rddreg [dreg:$0x0];
	s2 =	stileid.u32  }
0x3f: {  	s1 =	rddreg [dreg:$0x1];
	p0 =	sne.s32 s2, $0x0  }
0x40: {  	s3 =	rddreg [dreg:$0x2];
	[bflag:$0x3] =	sbarrier.arrive $0xFFFF;
	s2 =	simm.s32 @!p0 $0x1C01  }
0x41: {  	[timem:s3], [sflag:s2] =	dma.local @!p0 [hbm:s0], s1  }
0x42: {  	s0 =	simm.s32 @!p0 $0x1  }
0x43: {  	_ =	swait.ge @!p0 [sflag:s0], s1  }
0x44: {  	s1 =	ssub.s32 @!p0 $0x0, s1;
	[sflag:s0] =	ssyncset.done @!p0 $0x0  }
0x45: {  	[sflag:s0] =	ssyncadd.s32 @!p0 s1  }
0x46: {  	[bflag:$0x3] =	sbarrier.arrive $0xFFFF  }
0x47: {  	_ =	shalt  }

// kernel: kernel.8.cloned.1.call-start
scs
__scs_entry_jumppad:
0x0: {  	(pc) =	sbr.rel $0x88, $3  }
0x1: {  	(tag) =	ssettag $0x0;
	lr =	simm.s32 $0x1  }
0x2: {  	[smem:$0x3F9C] =	sst lr;
	_ =	strace $0xD0000000  }
0x3: {  	_ = 	snop  }
0x4: {  	_ = 	snop  }
0x5: {  	_ = 	snop  }
0x6: {  	_ = 	snop  }
0x7: {  	_ = 	snop  }
__scs_overlays_trampoline_lowered:
0x8: {  	[smem:$0x3FAB] =	sst s0  }
0x9: {  	[smem:$0x3FAC] =	sst s1  }
0xa: {  	[smem:$0x3FAD] =	sst s2  }
0xb: {  	[smem:$0x3FAE] =	sst s3  }
0xc: {  	[smem:$0x3FAF] =	sst s4  }
0xd: {  	[smem:$0x3FB0] =	sst s5  }
0xe: {  	[smem:$0x3FB1] =	sst s6  }
0xf: {  	[smem:$0x3FB2] =	sst s7  }
0x10: {  	[smem:$0x3FB3] =	sst s8  }
0x11: {  	[smem:$0x3FB4] =	sst s9;
	s0 =	simm.s32 @!p0 $0x0  }
0x12: {  	s1 =	sld [smem:$0x3F9A];
	s0 =	simm.s32 @p0 $0x1  }
0x13: {  	[smem:$0x3FB5] =	sst s0;
	s0 =	simm.s32 @!p1 $0x0  }
0x14: {  	s2 =	sld [smem:$0x3F99];
	s0 =	simm.s32 @p1 $0x1  }
0x15: {  	[smem:$0x3FB6] =	sst s0;
	s0 =	simm.s32 @!p2 $0x0  }
0x16: {  	s3 =	sld [smem:$0x3FDB];
	s0 =	simm.s32 @p2 $0x1  }
0x17: {  	s4 =	simm.s32 $0x1BF5;
	[smem:$0x3FB8] =	sst s0  }
0x18: {  	s0 =	sld [smem:$0x3F9B];
	_ =	swait.ge [sflag:s4], $0x0  }
0x19: {  	s7 =	sld [smem:$0x3F9C]  }
0x1a: {  	s8 =	sadd.s32 $0xFFFFE003, lr  }
0x1b: {  	s9 =	sadd.s32 $0xFFFFFEF7, lr;
	s5 =	simm.s32 $0xFFFFFFFF;
	p2 =	slt.u32 s8, $0xFFFFF086  }
0x1c: {  	p1 =	slt.u32 s9, $0xF7A;
	s5 =	simm.s32 @!p2 $0x0  }
0x1d: {  	s5 =	simm.s32 @p1 $0x1;
	p0 =	seq.s32 s7, s2  }
0x1e: {  	s7 =	smul.u32 @!p0 $0xF7A, s2;
	p2 =	seq.s32 @!p0 s5, $0x0  }
0x1f: {  	s9 =	smul.u32 $0xF7A, s1;
	s8 =	simm.s32 @!p0 $0x1BF5;
	p2 =	por !p2, p0  }
0x20: {  	[sflag:s8] =	ssyncset.s32 @!p0 $0xFFFFF086;
	s6 =	sadd.s32 @!p0 s3, s7;
	s7 =	simm.s32 @!p0 $0x108  }
0x21: {  	s3 =	sadd.s32 s3, s9;
	s6 =	sadd.s32 @!p0 $0x88, s6;
	s7 =	simm.s32 @p2 $0x1082  }
0x22: {  	[simem:s7], [sflag:s8] =	dma.local @!p0 [hbm:s6], $0xF7A  }
0x23: {  	s9 =	sor.u32 $0xD0000000, s2;
	s6 =	simm.s32 $0x108;
	_ =	swait.ge @!p0 [sflag:s8], $0x0  }
0x24: {  	s3 =	sadd.s32 $0x88, s3;
	s6 =	simm.s32 @!p1 $0x1082;
	[sflag:s4] =	ssyncset.s32 $0xFFFFF086  }
0x25: {  	[simem:s6], [sflag:s4] =	dma.local [hbm:s3], $0xF7A  }
0x26: {  	[smem:$0x3F9C] =	sst s1;
	(tag) =	ssettag s2;
	_ =	strace s9  }
0x27: {  	s1 =	sld [smem:$0x3FAC]  }
0x28: {  	s2 =	sld [smem:$0x3FAD]  }
0x29: {  	s4 =	sld [smem:$0x3FAF]  }
0x2a: {  	p0 =	seq.s32 s5, $0x0;
	s5 =	sld [smem:$0x3FB0]  }
0x2b: {  	s6 =	sld [smem:$0x3FB1]  }
0x2c: {  	s7 =	sld [smem:$0x3FB2]  }
0x2d: {  	s3 =	simm.s32 $0x108;
	s8 =	sld [smem:$0x3FB3]  }
0x2e: {  	s3 =	simm.s32 @!p0 $0x1082;
	s9 =	sld [smem:$0x3FB4]  }
0x2f: {  	lr =	sadd.s32 s0, s3;
	s0 =	sld [smem:$0x3FAB]  }
0x30: {  	s3 =	sld [smem:$0x3FAE]  }
0x31: {  	[smem:$0x3FB7] =	sst s10  }
0x32: {  	s10 =	sld [smem:$0x3FB5];
	_ =	sdelay $0x3  }
0x33: {  	p0 =	seq.s32 s10, $0x1;
	s10 =	sld [smem:$0x3FB7];
	_ =	sdelay $0x3  }
0x34: {  	[smem:$0x3FB7] =	sst s10  }
0x35: {  	s10 =	sld [smem:$0x3FB6];
	_ =	sdelay $0x3  }
0x36: {  	p1 =	seq.s32 s10, $0x1;
	s10 =	sld [smem:$0x3FB7];
	_ =	sdelay $0x3  }
0x37: {  	[smem:$0x3FB7] =	sst s10  }
0x38: {  	s10 =	sld [smem:$0x3FB8]  }
0x39: {  	_ = 	snop;
	(pc) =	sbr.ind lr, $3  }
0x3a: {  	_ = 	snop  }
0x3b: {  	_ = 	snop  }
0x3c: {  	p2 =	seq.s32 s10, $0x1;
	s10 =	sld [smem:$0x3FB7]  }
0x3d: {  	_ =	shalt  }
0x3e: {  	_ =	shalt  }
0x3f: {  	_ =	shalt  }
0x40: {  	_ =	shalt  }
0x41: {  	_ =	shalt  }
0x42: {  	_ =	shalt  }
0x43: {  	_ =	shalt  }
0x44: {  	_ =	shalt  }
0x45: {  	_ =	shalt  }
0x46: {  	_ =	shalt  }
0x47: {  	_ =	shalt  }
0x48: {  	_ =	shalt  }
0x49: {  	_ =	shalt  }
0x4a: {  	_ =	shalt  }
0x4b: {  	_ =	shalt  }
0x4c: {  	_ =	shalt  }
0x4d: {  	_ =	shalt  }
0x4e: {  	_ =	shalt  }
0x4f: {  	_ =	shalt  }
0x50: {  	_ =	shalt  }
0x51: {  	_ =	shalt  }
0x52: {  	_ =	shalt  }
0x53: {  	_ =	shalt  }
0x54: {  	_ =	shalt  }
0x55: {  	_ =	shalt  }
0x56: {  	_ =	shalt  }
0x57: {  	_ =	shalt  }
0x58: {  	_ =	shalt  }
0x59: {  	_ =	shalt  }
0x5a: {  	_ =	shalt  }
0x5b: {  	_ =	shalt  }
0x5c: {  	_ =	shalt  }
0x5d: {  	_ =	shalt  }
0x5e: {  	_ =	shalt  }
0x5f: {  	_ =	shalt  }
0x60: {  	_ =	shalt  }
0x61: {  	_ =	shalt  }
0x62: {  	_ =	shalt  }
0x63: {  	_ =	shalt  }
0x64: {  	_ =	shalt  }
0x65: {  	_ =	shalt  }
0x66: {  	_ =	shalt  }
0x67: {  	_ =	shalt  }
0x68: {  	_ =	shalt  }
0x69: {  	_ =	shalt  }
0x6a: {  	_ =	shalt  }
0x6b: {  	_ =	shalt  }
0x6c: {  	_ =	shalt  }
0x6d: {  	_ =	shalt  }
0x6e: {  	_ =	shalt  }
0x6f: {  	_ =	shalt  }
0x70: {  	_ =	shalt  }
0x71: {  	_ =	shalt  }
0x72: {  	_ =	shalt  }
0x73: {  	_ =	shalt  }
0x74: {  	_ =	shalt  }
0x75: {  	_ =	shalt  }
0x76: {  	_ =	shalt  }
0x77: {  	_ =	shalt  }
0x78: {  	_ =	shalt  }
0x79: {  	_ =	shalt  }
0x7a: {  	_ =	shalt  }
0x7b: {  	_ =	shalt  }
0x7c: {  	_ =	shalt  }
0x7d: {  	_ =	shalt  }
0x7e: {  	_ =	shalt  }
0x7f: {  	_ =	shalt  }
0x80: {  	_ =	shalt  }
0x81: {  	_ =	shalt  }
0x82: {  	_ =	shalt  }
0x83: {  	_ =	shalt  }
0x84: {  	_ =	shalt  }
0x85: {  	_ =	shalt  }
0x86: {  	_ =	shalt  }
0x87: {  	_ =	shalt  }
.Lfunc_end0:
.L_simem_size_0:
called_computation.1_lowered:
.L_overlay_start_0:
0x88: {  	s2 =	sld [smem:$0x3FD9]  }
0x89: {  	s3 =	sld [smem:$0x3FFE];
	_ =	sdelay $0x1  }
0x8a: {  	s1 =	srdreg.scid  }
0x8b: {  	s0 =	sand.u32 $0x1, s1  }
0x8c: {  	s17 =	sshll.u32 s0, $0xA;
	s2 =	sadd.s32 s3, s2  }
0x8d: {  	s2 =	sadd.s32 s2, s17  }
0x8e: {  	[smem:$0x3FC3] =	sst s2  }
0x8f: {  	_ = 	snop  }
0x90: {  	s2 =	sld [smem:$0x3FC7]  }
0x91: {  	s18 =	sld [smem:$0x3FD0];
	(tm) =	ssettm $0x1  }
0x92: {  	s4 =	sld [smem:$0x3FFB];
	_ =	sdelay $0x3  }
0x93: {  	_ =	strace s4  }
0x94: {  	s4 =	sld [smem:$0x3FFC];
	_ =	sdelay $0x3  }
0x95: {  	_ =	strace s4  }
0x96: {  	s4 =	sld [smem:$0x3FFD];
	_ =	sdelay $0x3  }
0x97: {  	_ =	strace s4  }
0x98: {  	_ =	strace $0x8FFFFFFF  }
0x99: {  	s19 =	sld [smem:$0x3FDB];
	_ =	sdelay $0x1  }
0x9a: {  	s5 =	simm.s32 $_scs_section_size  }
0x9b: {  	s6 =	simm.s32 $_size__tile_overlayer_lowered;
	s7 =	simm.s32 $_tile_overlayer_lowered  }
0x9c: {  	s22 =	simm.s32 $0x1BFF;
	s21 =	sshll.u32 s7, $0x1;
	s4 =	sadd.s32 s5, s19  }
0x9d: {  	s8 =	simm.s32 $0x0;
	s20 =	sshll.u32 s6, $0x1;
	s6 =	sadd.s32 s21, s4  }
0x9e: {  	[timem:s8], [sflag:s22] =	dma.local [hbm:s6], s20  }
0x9f: {  	_ =	swait.ge [sflag:s22], s20  }
0xa0: {  	s5 =	ssub.s32 $0x0, s20;
	[sflag:s22] =	ssyncset.done $0x0  }
0xa1: {  	[sflag:s22] =	ssyncadd.s32 s5;
	_ =	sdelay $0x1  }
0xa2: {  	s23 =	simm.s32 $0x1B8B  }
0xa3: {  	_ =	swait.ge [sflag:s23], $0x1  }
0xa4: {  	[sflag:s23] =	ssyncset.done $0x0  }
0xa5: {  	s25 =	simm.s32 $0x1B8E;
	s24 =	sld [smem:$0x3FFE];
	[sflag:s23] =	ssyncadd.s32 $0xFFFFFFFF  }
0xa6: {  	s26 =	simm.s32 $execute0_lowered;
	[smem:$0x3FD2] =	sst s25  }
0xa7: {  	s6 =	sshll.u32 s26, $0x1;
	_ =	strace $0x80000049;
	[dreg:$0x1] =	wrdreg $0xFFFFFFFF  }
0xa8: {  	s28 =	simm.s32 $_size_execute0_lowered;
	s4 =	sadd.s32 s4, s6;
	[dreg:$0x0] =	wrdreg $0x0  }
0xa9: {  	s6 =	sshll.u32 s28, $0x1;
	[dreg:$0x2] =	wrdreg s4  }
0xaa: {  	[dreg:$0x3] =	wrdreg s6  }
0xab: {  	[dreg:$0x4] =	wrdreg $0xC0  }
0xac: {  	_ =	task [dreg:s8], $0x5FFFF  }
0xad: {  	[dreg:$0x1] =	wrdreg $0xFFFFFFFF  }
0xae: {  	[dreg:$0x0] =	wrdreg $0x60  }
0xaf: {  	[dreg:$0x2] =	wrdreg s24  }
0xb0: {  	[dreg:$0x3] =	wrdreg s2  }
0xb1: {  	[dreg:$0x4] =	wrdreg s18  }
0xb2: {  	[dreg:$0x5] =	wrdreg $0x9  }
0xb3: {  	_ =	task.clear_ibuf [dreg:s8], $0x6FFFF;
	_ =	strace $0x90000049  }
0xb4: {  	s29 =	simm.s32 $0x9;
	_ =	strace $0x8000004B  }
0xb5: {  	_ =	swait.ge [sflag:s29], $0x1  }
0xb6: {  	[sflag:s29] =	ssyncadd.s32 $0xFFFFFFFF  }
0xb7: {  	_ =	strace $0x9000004B  }
0xb8: {  	_ =	sfence  }
0xb9: {  	s30 =	sld [smem:$0x0];
	_ =	sdelay $0x2  }
0xba: {  	s31 =	sshll.u32 s1, $0xD;
	s1 =	sshrl.u32 s1, $0x2  }
0xbb: {  	s3 =	sand.u32 $0x4000, s31;
	s1 =	sadd.s32 s1, s30  }
0xbc: {  	s0 =	sor.u32 s3, s0;
	s1 =	sshll.u32 s1, $0x11  }
0xbd: {  	s0 =	sor.u32 s1, s0  }
0xbe: {  	s0 =	sadd.s32 $0x8F2B, s0  }
0xbf: {  	[sflag:s0] =	ssyncadd.remote.s32 $0x1  }
0xc0: {  	_ =	sfence.sel $0xFFFF  }
0xc1: {  	[dreg:$0x0] =	wrdreg $0xFFFFFFFF;
	(pc) =	sbr.abs _section_cstart, $3  }
0xc2: {  	[dreg:$0x1] =	wrdreg $0xFFFFFFFF  }
0xc3: {  	_ =	task.clear_ibuf [dreg:s8], $0x2FFFF;
	_ =	strace $0x9FFFFFFF  }
0xc4: {  	(tm) =	ssettm $0x7FFFFFFF  }
0xc5: {  	_ =	shalt  }
tec
execute0_lowered:
.L_overlay_start_1:
0x0: {  	(tag) =	ssettag $0x1  }
0x1: {  	s1 =	rddreg [dreg:$0x0]  }
0x2: {  	s2 =	rddreg [dreg:$0x1]  }
0x3: {  	s4 =	srdreg.scid;
	s0 =	stileid.u32  }
0x4: {  	s3 =	rddreg [dreg:$0x2];
	s12 =	simm.s32 $0x1980;
	s13 =	simm.s32 $0x80  }
0x5: {  	s14 =	simm.s32 $0x1A00;
	s15 =	simm.s32 $0x5A00;
	s16 =	simm.s32 $0x100  }
0x6: {  	s17 =	simm.s32 $0x9A00;
	s18 =	simm.s32 $0x180;
	s19 =	simm.s32 $0xDA00  }
0x7: {  	s20 =	simm.s32 $0x3;
	s21 =	simm.s32 $0x5;
	s22 =	simm.s32 $0x11A00  }
0x8: {  	s23 =	simm.s32 $0x4;
	s24 =	simm.s32 $0x6;
	s25 =	simm.s32 $0x2  }
0x9: {  	s26 =	simm.s32 $0x1;
	s28 =	simm.s32 $0x15A00;
	s29 =	simm.s32 $0x0  }
0xa: {  	s5 =	sand.u32 $0x1, s4;
	s6 =	sshll.u32 s0, $0x1;
	s4 =	simm.s32 $0x0  }
.Ltmp0:
0xb: {  	s8 =	sor.u32 s5, s6;
	[smem:$0x7FF] =	sst s4;
	(pc) =	sbr.rel .LBB2_1-.Ltmp0, $4  }
0xc: {  	s7 =	ssub.s32 $0x2, s5;
	s5 =	sadd.s32 $0x1800, s1;
	s6 =	smul.u32 $0x320, s8  }
0xd: {  	_ =	strace $0x8000004A;
	s10 =	sshrl.u32 s7, $0x1;
	s8 =	smul.u32 $0xC8000, s8  }
0xe: {  	s31 =	ssub.s32 s7, s10;
	s10 =	simm.s32 $0x7;
	s9 =	sadd.s32 s6, s1  }
0xf: {  	s6 =	sadd.s32 $0x1A00, s1;
	s7 =	sadd.s32 $0x7C00, s9;
	s9 =	smax.u32 s31, $0x1  }
.LBB2_22:
0x10: {  	_ =	swait.ge [sflag:s23], $0x8000  }
0x11: {  	[sflag:s23] =	ssyncset.done $0x0  }
0x12: {  	s29 =	sadd.s32 $0x1, s29;
	[sflag:s23] =	ssyncadd.s32 $0xFFFF8000  }
0x13: {  	p0 =	sne.s32 s29, s9;
	_ =	swait.ge [sflag:s21], $0x8000  }
.Ltmp1:
0x14: {  	[sflag:s21] =	ssyncset.done $0x0;
	(pc) =	sbr.rel @!p0 .LBB2_23-.Ltmp1, $4  }
0x15: {  	[sflag:s21] =	ssyncadd.s32 $0xFFFF8000  }
0x16: {  	_ =	swait.ge [sflag:s24], $0x8000  }
0x17: {  	[sflag:s24] =	ssyncset.done $0x0  }
0x18: {  	[sflag:s24] =	ssyncadd.s32 $0xFFFF8000  }
.LBB2_1:
0x19: {  	[tilespmem:s4], [sflag:$0x7] =	stream.linear.gather [hbm4b:s7+s4], $0x1900, $0x38;
	[tilespmem:$0x19A00] =	vst v63  }
0x1a: {  	_ =	swait.ge [sflag:s10], $0x1900  }
0x1b: {  	[sflag:s10] =	ssyncset.done $0x0  }
0x1c: {  	s0 =	simm.s32 $0x1900;
	[sflag:s10] =	ssyncadd.s32 $0xFFFFE700  }
0x1d: {  	[tilespmem:s0], [sflag:$0x7] =	stream.linear.gather [hbm4b:s5+s4], $0x80, $0x38;
	[tilespmem:$0x19A00] =	vst v63  }
0x1e: {  	_ =	swait.ge [sflag:s10], $0x80  }
0x1f: {  	[sflag:s10] =	ssyncset.done $0x0  }
0x20: {  	[sflag:s10] =	ssyncadd.s32 $0xFFFFFF80  }
0x21: {  	[tilespmem:s12], [sflag:$0x7] =	stream.linear.gather [hbm4b:s6+s4], $0x80, $0x38;
	[tilespmem:$0x19A00] =	vst v63  }
0x22: {  	_ =	swait.ge [sflag:s10], $0x80  }
0x23: {  	[sflag:s10] =	ssyncset.done $0x0  }
0x24: {  	[sflag:s10] =	ssyncadd.s32 $0xFFFFFF80  }
0x25: {  	v0 =	vld [tilespmem:$0x1900]  }
0x26: {  	v1 =	vld [tilespmem:$0x1910]  }
0x27: {  	v2 =	vld [tilespmem:$0x1920]  }
0x28: {  	v3 =	vld [tilespmem:$0x1930]  }
0x29: {  	v4 =	vld [tilespmem:$0x1940]  }
0x2a: {  	v5 =	vld [tilespmem:$0x1950]  }
0x2b: {  	v6 =	vld [tilespmem:$0x1960]  }
0x2c: {  	v7 =	vld [tilespmem:$0x1970]  }
0x2d: {  	v8 =	vld [tilespmem:$0x1980]  }
0x2e: {  	v9 =	vld [tilespmem:$0x1990]  }
0x2f: {  	v10 =	vld [tilespmem:$0x19A0]  }
0x30: {  	v11 =	vld [tilespmem:$0x19B0]  }
0x31: {  	v12 =	vld [tilespmem:$0x19C0]  }
0x32: {  	v13 =	vld [tilespmem:$0x19D0]  }
0x33: {  	v14 =	vld [tilespmem:$0x19E0]  }
0x34: {  	v15 =	vld [tilespmem:$0x19F0];
	[tilespmem:s14], [sflag:$0x1] =	stream.indirect.gather [hbm4b:s2+s13], $0x80, s4, s13, $0xb8  }
0x35: {  	_ = 	snop  }
0x36: {  	[tilespmem:s15], [sflag:$0x1] =	stream.indirect.gather [hbm4b:s2+s13], $0x80, s13, s13, $0xb8;
	[tilespmem:$0x19A00] =	vst v63  }
.Ltmp2:
0x37: {  	_ = 	snop;
	(pc) =	sbr.rel .LBB2_2-.Ltmp2, $4  }
0x38: {  	_ = 	snop  }
0x39: {  	[tilespmem:s17], [sflag:$0x2] =	stream.indirect.gather [hbm4b:s2+s13], $0x80, s16, s13, $0xb8;
	[tilespmem:$0x19A00] =	vst v63  }
0x3a: {  	s30 =	simm.s32 $0x0  }
0x3b: {  	[tilespmem:s19], [sflag:$0x2] =	stream.indirect.gather [hbm4b:s2+s13], $0x80, s18, s13, $0xb8;
	[tilespmem:$0x19A00] =	vst v63  }
.LBB2_21:
0x3c: {  	s30 =	sadd.s32 $0x1, s30  }
0x3d: {  	p0 =	sne.s32 s30, $0x19  }
.Ltmp3:
0x3e: {  	_ = 	snop;
	(pc) =	sbr.rel @!p0 .LBB2_22-.Ltmp3, $1  }
0x3f: {  	_ =	sdelay $0x3  }
.LBB2_2:
0x40: {  	s1 =	smul.u32 $0xAB, s30;
	_ =	sdelay $0x1  }
0x41: {  	s1 =	sshrl.u32 s1, $0x9  }
0x42: {  	s1 =	sand.u32 $0x7F, s1  }
0x43: {  	s1 =	smul.u32 $0x3, s1;
	_ =	sdelay $0x1  }
0x44: {  	s1 =	ssub.s32 s30, s1  }
0x45: {  	s1 =	sand.u32 $0xFF, s1  }
0x46: {  	p1 =	seq.s32 s1, $0x2  }
.Ltmp4:
0x47: {  	_ = 	snop;
	(pc) =	sbr.rel @p1 .LBB2_14-.Ltmp4, $3  }
0x48: {  	_ =	sdelay $0x1  }
0x49: {  	s31 =	sadd.s32 $0xFFFFFFFF, s30  }
0x4a: {  	p0 =	sgt.u32 s31, $0x15  }
0x4b: {  	p1 =	seq.s32 s1, $0x1  }
.Ltmp5:
0x4c: {  	_ = 	snop;
	(pc) =	sbr.rel @!p1 .LBB2_4-.Ltmp5, $1  }
0x4d: {  	_ =	sdelay $0x3  }
0x4e: {  	_ =	swait.ge [sflag:s25], $0x4000  }
0x4f: {  	[sflag:s25] =	ssyncset.done $0x0  }
0x50: {  	[sflag:s25] =	ssyncadd.s32 $0xFFFFC000  }
0x51: {  	_ =	swait.ge [sflag:s25], $0x4000  }
0x52: {  	[sflag:s25] =	ssyncset.done $0x0  }
0x53: {  	s0 =	simm.s32 @!p0 $0x4;
	[sflag:s25] =	ssyncadd.s32 $0xFFFFC000  }
0x54: {  	_ =	swait.ge @!p0 [sflag:s0], $0x8000  }
0x55: {  	s1 =	sshll.u32 @!p0 s30, $0x8;
	[sflag:s0] =	ssyncset.done @!p0 $0x0  }
0x56: {  	[sflag:s0] =	ssyncadd.s32 @!p0 $0xFFFF8000;
	s0 =	sand.u32 @!p0 $0x3FFFFF00, s1  }
0x57: {  	s31 =	simm.s32 @!p0 $0x80;
	s11 =	simm.s32 @!p0 $0x1A00;
	s1 =	sadd.s32 @!p0 $0x200, s0  }
0x58: {  	[tilespmem:s11], [sflag:$0x1] =	stream.indirect.gather @!p0 [hbm4b:s2+s31], $0x80, s1, s31, $0xb8;
	[tilespmem:$0x19A00] =	vst v63  }
0x59: {  	s0 =	sadd.s32 @!p0 $0x280, s0;
	s1 =	simm.s32 @!p0 $0x5A00  }
0x5a: {  	[tilespmem:s1], [sflag:$0x1] =	stream.indirect.gather @!p0 [hbm4b:s2+s31], $0x80, s0, s31, $0xb8;
	[tilespmem:$0x19A00] =	vst v63  }
0x5b: {  	s31 =	simm.s32 $0x0  }
0x5c: {  	v16 =	vld [tilespmem:s31+$0x9A00]  }
0x5d: {  	v21 =	vld [tilespmem:s31+$0x9A10]  }
0x5e: {  	v20 =	vld [tilespmem:s31+$0x9A20]  }
0x5f: {  	v19 =	vld [tilespmem:s31+$0x9A30]  }
0x60: {  	v18 =	vld [tilespmem:s31+$0x9A40]  }
0x61: {  	v17 =	vld [tilespmem:s31+$0x9A50];
	v22 =	vmul.f32 v16, v0  }
0x62: {  	s1 =	simm.s32 $0x200;
	v21 =	vmul.f32 v21, v1;
	v16 =	vld [tilespmem:s31+$0x9A60]  }
.LBB2_12:
0x63: {  	p0 =	sne.s32 s1, $0x1FE00;
	v22 =	vadd.f32 v22, v8;
	v20 =	vmul.f32 v20, v2;
	v23 =	vld [tilespmem:s31+$0x9A70]  }
0x64: {  	v21 =	vadd.f32 v21, v9;
	v19 =	vmul.f32 v19, v3  }
0x65: {  	s0 =	sshra.s32 s1, $0x2;
	[tilespmem:s31+$0x9A00] =	vst v22;
	v20 =	vadd.f32 v20, v10;
	v18 =	vmul.f32 v18, v4  }
0x66: {  	v22 =	vld [tilespmem:s0+$0x9A00];
	[tilespmem:s31+$0x9A10] =	vst v21;
	v19 =	vadd.f32 v19, v11;
	v17 =	vmul.f32 v17, v5  }
0x67: {  	v21 =	vld [tilespmem:s0+$0x9A10];
	[tilespmem:s31+$0x9A20] =	vst v20;
	v18 =	vadd.f32 v18, v12;
	v16 =	vmul.f32 v16, v6  }
.Ltmp6:
0x68: {  	v20 =	vld [tilespmem:s0+$0x9A20];
	[tilespmem:s31+$0x9A30] =	vst v19;
	v17 =	vadd.f32 v17, v13;
	v23 =	vmul.f32 v23, v7;
	(pc) =	sbr.rel @p0 .LBB2_12-.Ltmp6, $4  }
0x69: {  	v19 =	vld [tilespmem:s0+$0x9A30];
	[tilespmem:s31+$0x9A40] =	vst v18;
	v16 =	vadd.f32 v16, v14  }
0x6a: {  	v18 =	vld [tilespmem:s0+$0x9A40];
	[tilespmem:s31+$0x9A50] =	vst v17;
	v23 =	vadd.f32 v23, v15  }
0x6b: {  	v22 =	vmul.f32 v22, v0;
	v17 =	vld [tilespmem:s0+$0x9A50];
	[tilespmem:s31+$0x9A60] =	vst v16  }
0x6c: {  	s1 =	sadd.s32 $0x200, s1;
	v21 =	vmul.f32 v21, v1;
	v16 =	vld [tilespmem:s0+$0x9A60];
	[tilespmem:s31+$0x9A70] =	vst v23;
	s31 =	smov.u32 s0  }
0x6d: {  	v22 =	vadd.f32 v22, v8;
	v20 =	vmul.f32 v20, v2;
	v23 =	vld [tilespmem:s31+$0x9A70]  }
0x6e: {  	v21 =	vadd.f32 v21, v9;
	v19 =	vmul.f32 v19, v3  }
0x6f: {  	[tilespmem:s31+$0x9A00] =	vst v22;
	v20 =	vadd.f32 v20, v10;
	v18 =	vmul.f32 v18, v4  }
0x70: {  	[tilespmem:s31+$0x9A10] =	vst v21;
	v19 =	vadd.f32 v19, v11;
	v17 =	vmul.f32 v17, v5  }
0x71: {  	[tilespmem:s31+$0x9A20] =	vst v20;
	v18 =	vadd.f32 v18, v12;
	v16 =	vmul.f32 v16, v6  }
0x72: {  	[tilespmem:s31+$0x9A30] =	vst v19;
	v17 =	vadd.f32 v17, v13;
	v63 =	vmul.f32 v23, v7  }
.Ltmp7:
0x73: {  	s0 =	sshll.u32 s30, $0xF;
	[tilespmem:s31+$0x9A40] =	vst v18;
	v16 =	vadd.f32 v16, v14;
	(pc) =	sbr.rel .LBB2_21-.Ltmp7, $4  }
0x74: {  	s0 =	sadd.s32 s8, s0;
	[tilespmem:s31+$0x9A50] =	vst v17;
	v17 =	vadd.f32 v63, v15  }
0x75: {  	s0 =	sshrl.u32 s0, $0x3;
	[tilespmem:s31+$0x9A60] =	vst v16  }
0x76: {  	s0 =	sadd.s32 s3, s0;
	[tilespmem:s31+$0x9A70] =	vst v17  }
0x77: {  	[hbm4b:s0+s4] =	stream.linear.scatter [tilespmem:s17], [sflag:$0x5], $0x8000, $0x38;
	[tilespmem:$0x19A00] =	vst v63  }
.LBB2_14:
0x78: {  	_ =	swait.ge [sflag:s20], $0x4000  }
.Ltmp8:
0x79: {  	[sflag:s20] =	ssyncset.done $0x0;
	(pc) =	sbr.rel @p0 .LBB2_16-.Ltmp8, $4  }
0x7a: {  	[sflag:s20] =	ssyncadd.s32 $0xFFFFC000  }
0x7b: {  	_ =	swait.ge [sflag:s20], $0x4000  }
0x7c: {  	[sflag:s20] =	ssyncset.done $0x0  }
0x7d: {  	[sflag:s20] =	ssyncadd.s32 $0xFFFFC000  }
.Ltmp9:
0x7e: {  	(pc) =	sbr.rel .LBB2_17-.Ltmp9, $4  }
0x7f: {  	_ = 	snop  }
0x80: {  	_ =	swait.ge [sflag:s21], $0x8000  }
0x81: {  	[sflag:s21] =	ssyncset.done $0x0  }
0x82: {  	[sflag:s21] =	ssyncadd.s32 $0xFFFF8000  }
.LBB2_4:
0x83: {  	_ =	swait.ge [sflag:s26], $0x4000  }
.Ltmp10:
0x84: {  	[sflag:s26] =	ssyncset.done $0x0;
	(pc) =	sbr.rel @p0 .LBB2_6-.Ltmp10, $4  }
0x85: {  	[sflag:s26] =	ssyncadd.s32 $0xFFFFC000  }
0x86: {  	_ =	swait.ge [sflag:s26], $0x4000  }
0x87: {  	[sflag:s26] =	ssyncset.done $0x0  }
0x88: {  	[sflag:s26] =	ssyncadd.s32 $0xFFFFC000  }
.Ltmp11:
0x89: {  	(pc) =	sbr.rel .LBB2_7-.Ltmp11, $4  }
0x8a: {  	_ = 	snop  }
0x8b: {  	_ =	swait.ge [sflag:s24], $0x8000  }
0x8c: {  	[sflag:s24] =	ssyncset.done $0x0  }
0x8d: {  	[sflag:s24] =	ssyncadd.s32 $0xFFFF8000  }
.LBB2_16:
0x8e: {  	p0 =	sgt.u32 s30, $0x16  }
.Ltmp12:
0x8f: {  	_ = 	snop;
	(pc) =	sbr.rel @p0 .LBB2_18-.Ltmp12, $1  }
0x90: {  	_ =	sdelay $0x3  }
.LBB2_17:
0x91: {  	s0 =	sshll.u32 s30, $0x8  }
0x92: {  	s0 =	sand.u32 $0x3FFFFF00, s0  }
0x93: {  	s1 =	sadd.s32 $0x200, s0  }
0x94: {  	[tilespmem:s17], [sflag:$0x2] =	stream.indirect.gather [hbm4b:s2+s13], $0x80, s1, s13, $0xb8;
	[tilespmem:$0x19A00] =	vst v63  }
0x95: {  	s0 =	sadd.s32 $0x280, s0  }
0x96: {  	[tilespmem:s19], [sflag:$0x2] =	stream.indirect.gather [hbm4b:s2+s13], $0x80, s0, s13, $0xb8;
	[tilespmem:$0x19A00] =	vst v63  }
.LBB2_18:
0x97: {  	s31 =	simm.s32 $0x0  }
0x98: {  	v16 =	vld [tilespmem:s31+$0x11A00]  }
0x99: {  	v21 =	vld [tilespmem:s31+$0x11A10]  }
0x9a: {  	v20 =	vld [tilespmem:s31+$0x11A20]  }
0x9b: {  	v19 =	vld [tilespmem:s31+$0x11A30]  }
0x9c: {  	v18 =	vld [tilespmem:s31+$0x11A40]  }
0x9d: {  	v17 =	vld [tilespmem:s31+$0x11A50];
	v22 =	vmul.f32 v16, v0  }
0x9e: {  	s1 =	simm.s32 $0x200;
	v21 =	vmul.f32 v21, v1;
	v16 =	vld [tilespmem:s31+$0x11A60]  }
.LBB2_19:
0x9f: {  	p0 =	sne.s32 s1, $0x1FE00;
	v22 =	vadd.f32 v22, v8;
	v20 =	vmul.f32 v20, v2;
	v23 =	vld [tilespmem:s31+$0x11A70]  }
0xa0: {  	v21 =	vadd.f32 v21, v9;
	v19 =	vmul.f32 v19, v3  }
0xa1: {  	s0 =	sshra.s32 s1, $0x2;
	[tilespmem:s31+$0x11A00] =	vst v22;
	v20 =	vadd.f32 v20, v10;
	v18 =	vmul.f32 v18, v4  }
0xa2: {  	v22 =	vld [tilespmem:s0+$0x11A00];
	[tilespmem:s31+$0x11A10] =	vst v21;
	v19 =	vadd.f32 v19, v11;
	v17 =	vmul.f32 v17, v5  }
0xa3: {  	v21 =	vld [tilespmem:s0+$0x11A10];
	[tilespmem:s31+$0x11A20] =	vst v20;
	v18 =	vadd.f32 v18, v12;
	v16 =	vmul.f32 v16, v6  }
.Ltmp13:
0xa4: {  	v20 =	vld [tilespmem:s0+$0x11A20];
	[tilespmem:s31+$0x11A30] =	vst v19;
	v17 =	vadd.f32 v17, v13;
	v23 =	vmul.f32 v23, v7;
	(pc) =	sbr.rel @p0 .LBB2_19-.Ltmp13, $4  }
0xa5: {  	v19 =	vld [tilespmem:s0+$0x11A30];
	[tilespmem:s31+$0x11A40] =	vst v18;
	v16 =	vadd.f32 v16, v14  }
0xa6: {  	v18 =	vld [tilespmem:s0+$0x11A40];
	[tilespmem:s31+$0x11A50] =	vst v17;
	v23 =	vadd.f32 v23, v15  }
0xa7: {  	v22 =	vmul.f32 v22, v0;
	v17 =	vld [tilespmem:s0+$0x11A50];
	[tilespmem:s31+$0x11A60] =	vst v16  }
0xa8: {  	s1 =	sadd.s32 $0x200, s1;
	v21 =	vmul.f32 v21, v1;
	v16 =	vld [tilespmem:s0+$0x11A60];
	[tilespmem:s31+$0x11A70] =	vst v23;
	s31 =	smov.u32 s0  }
0xa9: {  	v22 =	vadd.f32 v22, v8;
	v20 =	vmul.f32 v20, v2;
	v23 =	vld [tilespmem:s31+$0x11A70]  }
0xaa: {  	v21 =	vadd.f32 v21, v9;
	v19 =	vmul.f32 v19, v3  }
0xab: {  	[tilespmem:s31+$0x11A00] =	vst v22;
	v20 =	vadd.f32 v20, v10;
	v18 =	vmul.f32 v18, v4  }
0xac: {  	[tilespmem:s31+$0x11A10] =	vst v21;
	v19 =	vadd.f32 v19, v11;
	v17 =	vmul.f32 v17, v5  }
0xad: {  	[tilespmem:s31+$0x11A20] =	vst v20;
	v18 =	vadd.f32 v18, v12;
	v16 =	vmul.f32 v16, v6  }
0xae: {  	[tilespmem:s31+$0x11A30] =	vst v19;
	v17 =	vadd.f32 v17, v13;
	v63 =	vmul.f32 v23, v7  }
.Ltmp14:
0xaf: {  	s0 =	sshll.u32 s30, $0xF;
	[tilespmem:s31+$0x11A40] =	vst v18;
	v16 =	vadd.f32 v16, v14;
	(pc) =	sbr.rel .LBB2_21-.Ltmp14, $4  }
0xb0: {  	s0 =	sadd.s32 s8, s0;
	[tilespmem:s31+$0x11A50] =	vst v17;
	v17 =	vadd.f32 v63, v15  }
0xb1: {  	s0 =	sshrl.u32 s0, $0x3;
	[tilespmem:s31+$0x11A60] =	vst v16  }
0xb2: {  	s0 =	sadd.s32 s3, s0;
	[tilespmem:s31+$0x11A70] =	vst v17  }
0xb3: {  	[hbm4b:s0+s4] =	stream.linear.scatter [tilespmem:s22], [sflag:$0x6], $0x8000, $0x38;
	[tilespmem:$0x19A00] =	vst v63  }
.LBB2_6:
0xb4: {  	p0 =	sgt.u32 s30, $0x16  }
.Ltmp15:
0xb5: {  	_ = 	snop;
	(pc) =	sbr.rel @p0 .LBB2_8-.Ltmp15, $1  }
0xb6: {  	_ =	sdelay $0x3  }
.LBB2_7:
0xb7: {  	s1 =	sshll.u32 s30, $0x8  }
0xb8: {  	s1 =	sand.u32 $0x3FFFFF00, s1  }
0xb9: {  	s31 =	sadd.s32 $0x200, s1  }
0xba: {  	[tilespmem:s22], [sflag:$0x3] =	stream.indirect.gather [hbm4b:s2+s13], $0x80, s31, s13, $0xb8;
	[tilespmem:$0x19A00] =	vst v63  }
0xbb: {  	s1 =	sadd.s32 $0x280, s1  }
0xbc: {  	[tilespmem:s28], [sflag:$0x3] =	stream.indirect.gather [hbm4b:s2+s13], $0x80, s1, s13, $0xb8;
	[tilespmem:$0x19A00] =	vst v63  }
.LBB2_8:
0xbd: {  	s31 =	simm.s32 $0x0  }
0xbe: {  	v16 =	vld [tilespmem:s31+$0x1A00]  }
0xbf: {  	v21 =	vld [tilespmem:s31+$0x1A10]  }
0xc0: {  	v20 =	vld [tilespmem:s31+$0x1A20]  }
0xc1: {  	v19 =	vld [tilespmem:s31+$0x1A30]  }
0xc2: {  	v18 =	vld [tilespmem:s31+$0x1A40]  }
0xc3: {  	v17 =	vld [tilespmem:s31+$0x1A50];
	v22 =	vmul.f32 v16, v0  }
0xc4: {  	s1 =	simm.s32 $0x200;
	v21 =	vmul.f32 v21, v1;
	v16 =	vld [tilespmem:s31+$0x1A60]  }
.LBB2_9:
0xc5: {  	p0 =	sne.s32 s1, $0x1FE00;
	v22 =	vadd.f32 v22, v8;
	v20 =	vmul.f32 v20, v2;
	v23 =	vld [tilespmem:s31+$0x1A70]  }
0xc6: {  	v21 =	vadd.f32 v21, v9;
	v19 =	vmul.f32 v19, v3  }
0xc7: {  	s0 =	sshra.s32 s1, $0x2;
	[tilespmem:s31+$0x1A00] =	vst v22;
	v20 =	vadd.f32 v20, v10;
	v18 =	vmul.f32 v18, v4  }
0xc8: {  	v22 =	vld [tilespmem:s0+$0x1A00];
	[tilespmem:s31+$0x1A10] =	vst v21;
	v19 =	vadd.f32 v19, v11;
	v17 =	vmul.f32 v17, v5  }
0xc9: {  	v21 =	vld [tilespmem:s0+$0x1A10];
	[tilespmem:s31+$0x1A20] =	vst v20;
	v18 =	vadd.f32 v18, v12;
	v16 =	vmul.f32 v16, v6  }
.Ltmp16:
0xca: {  	v20 =	vld [tilespmem:s0+$0x1A20];
	[tilespmem:s31+$0x1A30] =	vst v19;
	v17 =	vadd.f32 v17, v13;
	v23 =	vmul.f32 v23, v7;
	(pc) =	sbr.rel @p0 .LBB2_9-.Ltmp16, $4  }
0xcb: {  	v19 =	vld [tilespmem:s0+$0x1A30];
	[tilespmem:s31+$0x1A40] =	vst v18;
	v16 =	vadd.f32 v16, v14  }
0xcc: {  	v18 =	vld [tilespmem:s0+$0x1A40];
	[tilespmem:s31+$0x1A50] =	vst v17;
	v23 =	vadd.f32 v23, v15  }
0xcd: {  	v22 =	vmul.f32 v22, v0;
	v17 =	vld [tilespmem:s0+$0x1A50];
	[tilespmem:s31+$0x1A60] =	vst v16  }
0xce: {  	s1 =	sadd.s32 $0x200, s1;
	v21 =	vmul.f32 v21, v1;
	v16 =	vld [tilespmem:s0+$0x1A60];
	[tilespmem:s31+$0x1A70] =	vst v23;
	s31 =	smov.u32 s0  }
0xcf: {  	v22 =	vadd.f32 v22, v8;
	v20 =	vmul.f32 v20, v2;
	v23 =	vld [tilespmem:s31+$0x1A70]  }
0xd0: {  	v21 =	vadd.f32 v21, v9;
	v19 =	vmul.f32 v19, v3  }
0xd1: {  	[tilespmem:s31+$0x1A00] =	vst v22;
	v20 =	vadd.f32 v20, v10;
	v18 =	vmul.f32 v18, v4  }
0xd2: {  	[tilespmem:s31+$0x1A10] =	vst v21;
	v19 =	vadd.f32 v19, v11;
	v17 =	vmul.f32 v17, v5  }
0xd3: {  	[tilespmem:s31+$0x1A20] =	vst v20;
	v18 =	vadd.f32 v18, v12;
	v16 =	vmul.f32 v16, v6  }
0xd4: {  	[tilespmem:s31+$0x1A30] =	vst v19;
	v17 =	vadd.f32 v17, v13;
	v63 =	vmul.f32 v23, v7  }
.Ltmp17:
0xd5: {  	s0 =	sshll.u32 s30, $0xF;
	[tilespmem:s31+$0x1A40] =	vst v18;
	v16 =	vadd.f32 v16, v14;
	(pc) =	sbr.rel .LBB2_21-.Ltmp17, $4  }
0xd6: {  	s0 =	sadd.s32 s8, s0;
	[tilespmem:s31+$0x1A50] =	vst v17;
	v17 =	vadd.f32 v63, v15  }
0xd7: {  	s0 =	sshrl.u32 s0, $0x3;
	[tilespmem:s31+$0x1A60] =	vst v16  }
0xd8: {  	s0 =	sadd.s32 s3, s0;
	[tilespmem:s31+$0x1A70] =	vst v17  }
0xd9: {  	[hbm4b:s0+s4] =	stream.linear.scatter [tilespmem:s14], [sflag:$0x4], $0x8000, $0x38;
	[tilespmem:$0x19A00] =	vst v63  }
.LBB2_23:
0xda: {  	_ =	sfence.sel $0x180000  }
0xdb: {  	[bflag:$0x0] =	sbarrier.arrive $0xFFFF  }
0xdc: {  	_ =	strace $0x9000004A  }
0xdd: {  	s0 =	stileid.u32;
	[bflag:$0x2] =	sbarrier.arrive $0xFFFF  }
0xde: {  	p0 =	sne.s32 s0, $0x0;
	s0 =	rddreg [dreg:$0x3]  }
0xdf: {  	s0 =	sadd.s32 @!p0 $0x100000, s0  }
0xe0: {  	[sflag:s0] =	ssyncadd.tile.s32 @!p0 $0x1;
	_ =	shalt  }
.Lfunc_end2:
_tile_overlayer_lowered:
.L_overlay_start_2:
0xe1: {  	(tag) =	ssettag $0x2  }
0xe2: {  	s0 =	rddreg [dreg:$0x0];
	s2 =	stileid.u32  }
0xe3: {  	s1 =	rddreg [dreg:$0x1];
	p0 =	sne.s32 s2, $0x0  }
0xe4: {  	s3 =	rddreg [dreg:$0x2];
	[bflag:$0x3] =	sbarrier.arrive $0xFFFF;
	s2 =	simm.s32 @!p0 $0x1C07  }
0xe5: {  	[timem:s3], [sflag:s2] =	dma.local @!p0 [hbm:s0], s1  }
0xe6: {  	s0 =	simm.s32 @!p0 $0x7  }
0xe7: {  	_ =	swait.ge @!p0 [sflag:s0], s1  }
0xe8: {  	s1 =	ssub.s32 @!p0 $0x0, s1;
	[sflag:s0] =	ssyncset.done @!p0 $0x0  }
0xe9: {  	[sflag:s0] =	ssyncadd.s32 @!p0 s1  }
0xea: {  	[bflag:$0x3] =	sbarrier.arrive $0xFFFF  }
0xeb: {  	_ =	shalt  }

</sc_bundles>
